<compile_context>
chip_gen: v7x
topology: tpu7x:2x2x1
jax: 0.10.2.dev20260603
libtpu: 0.0.44.dev20260713+nightly
codegen_flags: <defaults>
</compile_context>

<pallas_src>
import functools

import jax
import jax.numpy as jnp
from jax import lax
from jax.experimental import pallas as pl
from jax.experimental.pallas import tpu as pltpu
from jax.experimental.pallas import tpu_sc as plsc

NC = 2
NS = 16


NBUF = 3


def _make_sc_scatter(E, N, D, chunk):
    assert E % NS == 0
    e_per_tile = E // NS
    assert chunk % 8 == 0 and chunk <= 128
    nchunks = e_per_tile // chunk
    tail = e_per_tile - nchunks * chunk
    assert tail % 8 == 0 and tail < chunk
    ngroups = nchunks // NBUF
    nrem = nchunks - ngroups * NBUF
    assert nchunks >= 2 * NBUF
    n_main = (N // (NS * 8)) * 8
    n_rem = N - NS * n_main
    assert n_rem % 8 == 0

    mesh = plsc.VectorSubcoreMesh(core_axis_name="c", subcore_axis_name="s")

    @functools.partial(
        pl.kernel,
        out_type=(
            jax.ShapeDtypeStruct((N, D), jnp.float32),
            jax.ShapeDtypeStruct((N, D), jnp.float32),
        ),
        mesh=mesh,
        scratch_types=[
            pltpu.VMEM_SHARED((N, D), jnp.float32),
            tuple(pltpu.VMEM((chunk,), jnp.int32) for _ in range(NBUF)),
            tuple(pltpu.VMEM((chunk, D), jnp.float32) for _ in range(NBUF)),
            tuple(pltpu.SemaphoreType.DMA for _ in range(NBUF)),
            tuple(pltpu.SemaphoreType.DMA for _ in range(NBUF)),
            pltpu.VMEM((tail if tail else 8,), jnp.int32),
        ],
    )
    def sc_scatter(idx_m_hbm, rows_m_hbm, idx_w_hbm, rows_w_hbm, zeros_hbm,
                   aggm_hbm, aggw_hbm, acc, idx_v, rows_v, lsems, ssems,
                   idx_tail):
        c = lax.axis_index("c")
        s = lax.axis_index("s")
        nbase = s * n_main
        ebase = s * e_per_tile

        def zero_init():
            pltpu.sync_copy(zeros_hbm.at[pl.ds(0, n_main)],
                            acc.at[pl.ds(nbase, n_main)])
            if n_rem:
                @pl.when(s == 0)
                def _():
                    pltpu.sync_copy(zeros_hbm.at[pl.ds(n_main, n_rem)],
                                    acc.at[pl.ds(NS * n_main, n_rem)])

        def write_back(out_hbm):
            pltpu.sync_copy(acc.at[pl.ds(nbase, n_main)],
                            out_hbm.at[pl.ds(nbase, n_main)])
            if n_rem:
                @pl.when(s == 0)
                def _():
                    pltpu.sync_copy(acc.at[pl.ds(NS * n_main, n_rem)],
                                    out_hbm.at[pl.ds(NS * n_main, n_rem)])

        def run(idx_hbm, rows_hbm, out_hbm):
            def start_load(k, b):
                off = ebase + k * chunk
                pltpu.async_copy(idx_hbm.at[pl.ds(E + off, chunk)], idx_v[b],
                                 lsems[b])
                pltpu.async_copy(rows_hbm.at[pl.ds(off, chunk)], rows_v[b],
                                 lsems[b])

            def wait_load(b):
                pltpu.make_async_copy(idx_hbm.at[pl.ds(0, chunk)], idx_v[b],
                                      lsems[b]).wait()
                pltpu.make_async_copy(rows_hbm.at[pl.ds(0, chunk)], rows_v[b],
                                      lsems[b]).wait()

            def start_scatter(b):
                pltpu.async_copy(rows_v[b], acc.at[idx_v[b]], ssems[b],
                                 add=True)

            def wait_scatter(b):
                pltpu.make_async_copy(rows_v[b], acc.at[idx_v[b]],
                                      ssems[b]).wait()

            start_load(0, 0)
            start_load(1, 1)
            tb = NBUF - 1
            if tail:
                toff = ebase + nchunks * chunk
                pltpu.async_copy(idx_hbm.at[pl.ds(E + toff, tail)], idx_tail,
                                 lsems[tb])
                pltpu.async_copy(rows_hbm.at[pl.ds(toff, tail)],
                                 rows_v[tb].at[pl.ds(0, tail)], lsems[tb])
            zero_init()
            plsc.subcore_barrier()
            if tail:
                pltpu.make_async_copy(idx_hbm.at[pl.ds(0, tail)], idx_tail,
                                      lsems[tb]).wait()
                pltpu.make_async_copy(rows_hbm.at[pl.ds(0, tail)],
                                      rows_v[tb].at[pl.ds(0, tail)],
                                      lsems[tb]).wait()
                pltpu.sync_copy(rows_v[tb].at[pl.ds(0, tail)],
                                acc.at[idx_tail], add=True)

            def group(g, carry):
                for b in range(NBUF):
                    k = g * NBUF + b
                    nb = (b + 2) % NBUF

                    @pl.when(k + 2 < nchunks)
                    def _():
                        @pl.when(k >= NBUF - 2)
                        def _():
                            wait_scatter(nb)

                        start_load(k + 2, nb)

                    wait_load(b)
                    start_scatter(b)
                return carry

            lax.fori_loop(0, ngroups, group, 0)
            for j in range(nrem):
                k = ngroups * NBUF + j
                b = k % NBUF
                wait_load(b)
                start_scatter(b)
            for b in range(NBUF):
                wait_scatter(b)
            plsc.subcore_barrier()
            write_back(out_hbm)

        @pl.when(c == 0)
        def _():
            run(idx_m_hbm, rows_m_hbm, aggm_hbm)

        @pl.when(c == 1)
        def _():
            run(idx_w_hbm, rows_w_hbm, aggw_hbm)

    return sc_scatter


def _mm_body(n_ref, m_ref, w_ref, w0_ref, w1_ref, w2_ref, b_ref, o_ref):
    acc = jnp.dot(n_ref[...], w0_ref[...], preferred_element_type=jnp.float32)
    acc += jnp.dot(m_ref[...], w1_ref[...], preferred_element_type=jnp.float32)
    acc += jnp.dot(w_ref[...], w2_ref[...], preferred_element_type=jnp.float32)
    o_ref[...] = acc + b_ref[...]


def _tc_matmul(node, aggm, aggw, w0, w1, w2, b2d, bm):
    N, D = node.shape
    row_spec = pl.BlockSpec((bm, D), lambda i: (i, 0))
    full = pl.BlockSpec((D, D), lambda i: (0, 0))
    return pl.pallas_call(
        _mm_body,
        grid=(N // bm,),
        in_specs=[row_spec, row_spec, row_spec, full, full, full,
                  pl.BlockSpec((1, D), lambda i: (0, 0))],
        out_specs=row_spec,
        out_shape=jax.ShapeDtypeStruct((N, D), jnp.float32),
    )(node, aggm, aggw, w0, w1, w2, b2d)


def kernel(node_attr, edge_index, edge_attr, edge_world_index, edge_world_attr, W, b):
    N, D = node_attr.shape
    E = edge_attr.shape[0]

    receivers_m = edge_index.astype(jnp.int32).reshape(2 * E)
    receivers_w = edge_world_index.astype(jnp.int32).reshape(2 * E)

    n_main = (N // (NS * 8)) * 8
    zeros = jnp.zeros((n_main + (N - NS * n_main), D), jnp.float32)

    sc_scatter = _make_sc_scatter(E, N, D, chunk=128)
    aggm, aggw = sc_scatter(receivers_m, edge_attr, receivers_w,
                            edge_world_attr, zeros)

    w0 = W[0:D]
    w1 = W[D:2 * D]
    w2 = W[2 * D:3 * D]
    b2d = b.reshape(1, D)
    return _tc_matmul(node_attr, aggm, aggw, w0, w1, w2, b2d, bm=2000)

# --- scband reference (transcript-rebuilt; emitter-appended) ---
"""Pipeline reference for scband-node-block-81655918232105 (READ-ONLY COPY).

The authoritative reference and input builder live on the scoring server;
editing this copy changes nothing except your own understanding.
"""

import jax, jax.numpy as jnp
import numpy as np


def setup_inputs(seed: int = 0) -> dict:
    key = jax.random.key(seed)
    k1, k2, k3, k4, k5, k6 = jax.random.split(key, 6)
    N = 10000
    E = 320000
    D = 128
    node_attr = jax.random.normal(k1, (N, D), dtype=jnp.float32)
    edge_index = jax.random.randint(k2, (2, E), 0, N, dtype=jnp.int64)
    edge_attr = jax.random.normal(k3, (E, D), dtype=jnp.float32)
    edge_world_index = jax.random.randint(k4, (2, E), 0, N, dtype=jnp.int64)
    edge_world_attr = jax.random.normal(k5, (E, D), dtype=jnp.float32)
    # custom_func (self.net) modeled as a Linear(3*D -> D)
    W = jax.random.normal(k6, (3 * D, D), dtype=jnp.float32) * (1.0 / np.sqrt(3 * D))
    b = jnp.zeros((D,), dtype=jnp.float32)
    return {"node_attr": node_attr, "edge_index": edge_index, "edge_attr": edge_attr,
            "edge_world_index": edge_world_index, "edge_world_attr": edge_world_attr,
            "W": W, "b": b}


def reference(node_attr, edge_index, edge_attr, edge_world_index, edge_world_attr, W, b):
    num_nodes = node_attr.shape[0]
    # scatter_add of mesh edge features onto receiver nodes
    receivers_mesh = edge_index[1]
    agg_received_edges_mesh = jax.ops.segment_sum(edge_attr, receivers_mesh, num_segments=num_nodes)
    # scatter_add of world (collision) edge features onto receiver nodes
    receivers_world = edge_world_index[1]
    agg_received_edges_collision = jax.ops.segment_sum(edge_world_attr, receivers_world, num_segments=num_nodes)
    collected_nodes = jnp.concatenate([node_attr, agg_received_edges_mesh, agg_received_edges_collision], axis=-1)
    x = collected_nodes @ W + b
    return x

if __name__ == "__main__":
    import jax
    _d = setup_inputs()
    print(jax.jit(kernel)(*tuple(_d.values())))

</pallas_src>

<mosaic_0001>
#map = affine_map<(d0, d1) -> (0)>
#map1 = affine_map<(d0, d1) -> (0, 0)>
module attributes {stable_mosaic.version = 14 : i64} {
  func.func @sc_scatter(%arg0: i32, %arg1: i32, %arg2: memref<640000xi32, #tpu.memory_space<hbm>>, %arg3: memref<320000x128xf32, #tpu.memory_space<hbm>>, %arg4: memref<640000xi32, #tpu.memory_space<hbm>>, %arg5: memref<320000x128xf32, #tpu.memory_space<hbm>>, %arg6: memref<640x128xf32, #tpu.memory_space<hbm>>, %arg7: memref<10000x128xf32, #tpu.memory_space<hbm>>, %arg8: memref<10000x128xf32, #tpu.memory_space<hbm>>, %arg9: memref<10000x128xf32, #tpu.memory_space<vmem_shared>>, %arg10: memref<128xi32, #tpu.memory_space<vmem>>, %arg11: memref<128xi32, #tpu.memory_space<vmem>>, %arg12: memref<128xi32, #tpu.memory_space<vmem>>, %arg13: memref<128x128xf32, #tpu.memory_space<vmem>>, %arg14: memref<128x128xf32, #tpu.memory_space<vmem>>, %arg15: memref<128x128xf32, #tpu.memory_space<vmem>>, %arg16: memref<!tpu.dma_semaphore, #tpu.memory_space<semaphore_mem>>, %arg17: memref<!tpu.dma_semaphore, #tpu.memory_space<semaphore_mem>>, %arg18: memref<!tpu.dma_semaphore, #tpu.memory_space<semaphore_mem>>, %arg19: memref<!tpu.dma_semaphore, #tpu.memory_space<semaphore_mem>>, %arg20: memref<!tpu.dma_semaphore, #tpu.memory_space<semaphore_mem>>, %arg21: memref<!tpu.dma_semaphore, #tpu.memory_space<semaphore_mem>>, %arg22: memref<32xi32, #tpu.memory_space<vmem>>) attributes {dimension_semantics = [#tpu.dimension_semantics<core_parallel>, #tpu.dimension_semantics<subcore_parallel>], iteration_bounds = array<i64: 2, 16>, scalar_prefetch = 0 : i64, scratch_operands = 14 : i64, tpu.core_type = #tpu.core_type<sc_vector_subcore>, window_params = [{transform_indices = #map}, {transform_indices = #map1}, {transform_indices = #map}, {transform_indices = #map1}, {transform_indices = #map1}, {transform_indices = #map1}, {transform_indices = #map1}]} {
    %mul3A = arith.constant 624 : i32
    %mul3A_0 = arith.muli %arg1, %mul3A : i32
    %mul3A_1 = arith.constant 20000 : i32
    %mul3A_2 = arith.muli %arg1, %mul3A_1 : i32
    %eq3A = arith.constant 0 : i32
    %eq3A_3 = arith.cmpi eq, %arg0, %eq3A : i32
    %convert_element_type3A = arith.extui %eq3A_3 : i1 to i32
    %cond3A = arith.constant 0 : i32
    %cond3A_4 = arith.cmpi ne, %convert_element_type3A, %cond3A : i32
    scf.if %cond3A_4 {
      %add3A = arith.constant 0 : i32
      %add3A_10 = arith.addi %mul3A_2, %add3A : i32
      %add3A_11 = arith.constant 320000 : i32
      %add3A_12 = arith.addi %add3A_11, %add3A_10 : i32
      %dma_start3A = tpu.memref_slice %arg2[%add3A_12] : memref<640000xi32, #tpu.memory_space<hbm>> -> memref<128xi32, #tpu.memory_space<hbm>>
      %dma_start3A_13 = tpu.memref_slice %arg2[%add3A_12] : memref<640000xi32, #tpu.memory_space<hbm>> -> memref<128xi32, #tpu.memory_space<hbm>>
      tpu.enqueue_dma source(%dma_start3A_13 : memref<128xi32, #tpu.memory_space<hbm>>) target(%arg10 : memref<128xi32, #tpu.memory_space<vmem>>) target_semaphore(%arg16 : memref<!tpu.dma_semaphore, #tpu.memory_space<semaphore_mem>>)
      %dma_start3A_14 = arith.constant 0 : i32
      %dma_start3A_15 = tpu.memref_slice %arg3[%add3A_10, %dma_start3A_14] : memref<320000x128xf32, #tpu.memory_space<hbm>> -> memref<128x128xf32, #tpu.memory_space<hbm>>
      %dma_start3A_16 = arith.constant 0 : i32
      %dma_start3A_17 = tpu.memref_slice %arg3[%add3A_10, %dma_start3A_16] : memref<320000x128xf32, #tpu.memory_space<hbm>> -> memref<128x128xf32, #tpu.memory_space<hbm>>
      tpu.enqueue_dma source(%dma_start3A_17 : memref<128x128xf32, #tpu.memory_space<hbm>>) target(%arg13 : memref<128x128xf32, #tpu.memory_space<vmem>>) target_semaphore(%arg16 : memref<!tpu.dma_semaphore, #tpu.memory_space<semaphore_mem>>)
      %add3A_18 = arith.constant 128 : i32
      %add3A_19 = arith.addi %mul3A_2, %add3A_18 : i32
      %add3A_20 = arith.constant 320000 : i32
      %add3A_21 = arith.addi %add3A_20, %add3A_19 : i32
      %dma_start3A_22 = tpu.memref_slice %arg2[%add3A_21] : memref<640000xi32, #tpu.memory_space<hbm>> -> memref<128xi32, #tpu.memory_space<hbm>>
      %dma_start3A_23 = tpu.memref_slice %arg2[%add3A_21] : memref<640000xi32, #tpu.memory_space<hbm>> -> memref<128xi32, #tpu.memory_space<hbm>>
      tpu.enqueue_dma source(%dma_start3A_23 : memref<128xi32, #tpu.memory_space<hbm>>) target(%arg11 : memref<128xi32, #tpu.memory_space<vmem>>) target_semaphore(%arg17 : memref<!tpu.dma_semaphore, #tpu.memory_space<semaphore_mem>>)
      %dma_start3A_24 = arith.constant 0 : i32
      %dma_start3A_25 = tpu.memref_slice %arg3[%add3A_19, %dma_start3A_24] : memref<320000x128xf32, #tpu.memory_space<hbm>> -> memref<128x128xf32, #tpu.memory_space<hbm>>
      %dma_start3A_26 = arith.constant 0 : i32
      %dma_start3A_27 = tpu.memref_slice %arg3[%add3A_19, %dma_start3A_26] : memref<320000x128xf32, #tpu.memory_space<hbm>> -> memref<128x128xf32, #tpu.memory_space<hbm>>
      tpu.enqueue_dma source(%dma_start3A_27 : memref<128x128xf32, #tpu.memory_space<hbm>>) target(%arg14 : memref<128x128xf32, #tpu.memory_space<vmem>>) target_semaphore(%arg17 : memref<!tpu.dma_semaphore, #tpu.memory_space<semaphore_mem>>)
      %add3A_28 = arith.constant 19968 : i32
      %add3A_29 = arith.addi %mul3A_2, %add3A_28 : i32
      %add3A_30 = arith.constant 320000 : i32
      %add3A_31 = arith.addi %add3A_30, %add3A_29 : i32
      %dma_start3A_32 = tpu.memref_slice %arg2[%add3A_31] : memref<640000xi32, #tpu.memory_space<hbm>> -> memref<32xi32, #tpu.memory_space<hbm>>
      %dma_start3A_33 = tpu.memref_slice %arg2[%add3A_31] : memref<640000xi32, #tpu.memory_space<hbm>> -> memref<32xi32, #tpu.memory_space<hbm>>
      tpu.enqueue_dma source(%dma_start3A_33 : memref<32xi32, #tpu.memory_space<hbm>>) target(%arg22 : memref<32xi32, #tpu.memory_space<vmem>>) target_semaphore(%arg18 : memref<!tpu.dma_semaphore, #tpu.memory_space<semaphore_mem>>)
      %dma_start3A_34 = arith.constant 0 : i32
      %dma_start3A_35 = arith.constant 0 : i32
      %dma_start3A_36 = tpu.memref_slice %arg15[%dma_start3A_34, %dma_start3A_35] : memref<128x128xf32, #tpu.memory_space<vmem>> -> memref<32x128xf32, #tpu.memory_space<vmem>>
      %dma_start3A_37 = arith.constant 0 : i32
      %dma_start3A_38 = tpu.memref_slice %arg3[%add3A_29, %dma_start3A_37] : memref<320000x128xf32, #tpu.memory_space<hbm>> -> memref<32x128xf32, #tpu.memory_space<hbm>>
      %dma_start3A_39 = arith.constant 0 : i32
      %dma_start3A_40 = arith.constant 0 : i32
      %dma_start3A_41 = tpu.memref_slice %arg15[%dma_start3A_39, %dma_start3A_40] : memref<128x128xf32, #tpu.memory_space<vmem>> -> memref<32x128xf32, #tpu.memory_space<vmem>>
      %dma_start3A_42 = arith.constant 0 : i32
      %dma_start3A_43 = tpu.memref_slice %arg3[%add3A_29, %dma_start3A_42] : memref<320000x128xf32, #tpu.memory_space<hbm>> -> memref<32x128xf32, #tpu.memory_space<hbm>>
      tpu.enqueue_dma source(%dma_start3A_43 : memref<32x128xf32, #tpu.memory_space<hbm>>) target(%dma_start3A_41 : memref<32x128xf32, #tpu.memory_space<vmem>>) target_semaphore(%arg18 : memref<!tpu.dma_semaphore, #tpu.memory_space<semaphore_mem>>)
      "tpu.region"() ({
        %run_scoped3A = tpu.sem_alloc : memref<!tpu.dma_semaphore, #tpu.memory_space<semaphore_mem>>
        %dma_start3A_84 = arith.constant 0 : i32
        %dma_start3A_85 = tpu.memref_slice %arg9[%mul3A_0, %dma_start3A_84] : memref<10000x128xf32, #tpu.memory_space<vmem_shared>> -> memref<624x128xf32, #tpu.memory_space<vmem_shared>>
        %dma_start3A_86 = arith.constant 0 : i32
        %dma_start3A_87 = arith.constant 0 : i32
        %dma_start3A_88 = tpu.memref_slice %arg6[%dma_start3A_86, %dma_start3A_87] : memref<640x128xf32, #tpu.memory_space<hbm>> -> memref<624x128xf32, #tpu.memory_space<hbm>>
        tpu.enqueue_dma source(%dma_start3A_88 : memref<624x128xf32, #tpu.memory_space<hbm>>) target(%dma_start3A_85 : memref<624x128xf32, #tpu.memory_space<vmem_shared>>) target_semaphore(%run_scoped3A : memref<!tpu.dma_semaphore, #tpu.memory_space<semaphore_mem>>)
        %dma_wait3A_89 = arith.constant 0 : i32
        %dma_wait3A_90 = tpu.memref_slice %arg9[%mul3A_0, %dma_wait3A_89] : memref<10000x128xf32, #tpu.memory_space<vmem_shared>> -> memref<624x128xf32, #tpu.memory_space<vmem_shared>>
        %dma_wait3A_91 = arith.constant 0 : i32
        %dma_wait3A_92 = arith.constant 0 : i32
        %dma_wait3A_93 = tpu.memref_slice %arg6[%dma_wait3A_91, %dma_wait3A_92] : memref<640x128xf32, #tpu.memory_space<hbm>> -> memref<624x128xf32, #tpu.memory_space<hbm>>
        tpu.wait_dma2 semaphore(%run_scoped3A : memref<!tpu.dma_semaphore, #tpu.memory_space<semaphore_mem>>) src(%dma_wait3A_93 : memref<624x128xf32, #tpu.memory_space<hbm>>) dst(%dma_wait3A_90 : memref<624x128xf32, #tpu.memory_space<vmem_shared>>)
        tpu.yield
      }) : () -> ()
      %eq3A_44 = arith.constant 0 : i32
      %eq3A_45 = arith.cmpi eq, %arg1, %eq3A_44 : i32
      %convert_element_type3A_46 = arith.extui %eq3A_45 : i1 to i32
      %cond3A_47 = arith.constant 0 : i32
      %cond3A_48 = arith.cmpi ne, %convert_element_type3A_46, %cond3A_47 : i32
      scf.if %cond3A_48 {
        "tpu.region"() ({
          %run_scoped3A = tpu.sem_alloc : memref<!tpu.dma_semaphore, #tpu.memory_space<semaphore_mem>>
          %dma_start3A_84 = arith.constant 9984 : i32
          %dma_start3A_85 = arith.constant 0 : i32
          %dma_start3A_86 = tpu.memref_slice %arg9[%dma_start3A_84, %dma_start3A_85] : memref<10000x128xf32, #tpu.memory_space<vmem_shared>> -> memref<16x128xf32, #tpu.memory_space<vmem_shared>>
          %dma_start3A_87 = arith.constant 624 : i32
          %dma_start3A_88 = arith.constant 0 : i32
          %dma_start3A_89 = tpu.memref_slice %arg6[%dma_start3A_87, %dma_start3A_88] : memref<640x128xf32, #tpu.memory_space<hbm>> -> memref<16x128xf32, #tpu.memory_space<hbm>>
          tpu.enqueue_dma source(%dma_start3A_89 : memref<16x128xf32, #tpu.memory_space<hbm>>) target(%dma_start3A_86 : memref<16x128xf32, #tpu.memory_space<vmem_shared>>) target_semaphore(%run_scoped3A : memref<!tpu.dma_semaphore, #tpu.memory_space<semaphore_mem>>)
          %dma_wait3A_90 = arith.constant 9984 : i32
          %dma_wait3A_91 = arith.constant 0 : i32
          %dma_wait3A_92 = tpu.memref_slice %arg9[%dma_wait3A_90, %dma_wait3A_91] : memref<10000x128xf32, #tpu.memory_space<vmem_shared>> -> memref<16x128xf32, #tpu.memory_space<vmem_shared>>
          %dma_wait3A_93 = arith.constant 624 : i32
          %dma_wait3A_94 = arith.constant 0 : i32
          %dma_wait3A_95 = tpu.memref_slice %arg6[%dma_wait3A_93, %dma_wait3A_94] : memref<640x128xf32, #tpu.memory_space<hbm>> -> memref<16x128xf32, #tpu.memory_space<hbm>>
          tpu.wait_dma2 semaphore(%run_scoped3A : memref<!tpu.dma_semaphore, #tpu.memory_space<semaphore_mem>>) src(%dma_wait3A_95 : memref<16x128xf32, #tpu.memory_space<hbm>>) dst(%dma_wait3A_92 : memref<16x128xf32, #tpu.memory_space<vmem_shared>>)
          tpu.yield
        }) : () -> ()
      } else {
      }
      %barrier3A = arith.constant 0 : index
      tpu.barrier barrier_id(%barrier3A)
      %dma_wait3A = arith.constant 0 : i32
      %dma_wait3A_49 = tpu.memref_slice %arg2[%dma_wait3A] : memref<640000xi32, #tpu.memory_space<hbm>> -> memref<32xi32, #tpu.memory_space<hbm>>
      %dma_wait3A_50 = arith.constant 0 : i32
      %dma_wait3A_51 = tpu.memref_slice %arg2[%dma_wait3A_50] : memref<640000xi32, #tpu.memory_space<hbm>> -> memref<32xi32, #tpu.memory_space<hbm>>
      tpu.wait_dma2 semaphore(%arg18 : memref<!tpu.dma_semaphore, #tpu.memory_space<semaphore_mem>>) src(%dma_wait3A_51 : memref<32xi32, #tpu.memory_space<hbm>>) dst(%arg22 : memref<32xi32, #tpu.memory_space<vmem>>)
      %dma_wait3A_52 = arith.constant 0 : i32
      %dma_wait3A_53 = arith.constant 0 : i32
      %dma_wait3A_54 = tpu.memref_slice %arg15[%dma_wait3A_52, %dma_wait3A_53] : memref<128x128xf32, #tpu.memory_space<vmem>> -> memref<32x128xf32, #tpu.memory_space<vmem>>
      %dma_wait3A_55 = arith.constant 0 : i32
      %dma_wait3A_56 = arith.constant 0 : i32
      %dma_wait3A_57 = tpu.memref_slice %arg3[%dma_wait3A_55, %dma_wait3A_56] : memref<320000x128xf32, #tpu.memory_space<hbm>> -> memref<32x128xf32, #tpu.memory_space<hbm>>
      %dma_wait3A_58 = arith.constant 0 : i32
      %dma_wait3A_59 = arith.constant 0 : i32
      %dma_wait3A_60 = tpu.memref_slice %arg15[%dma_wait3A_58, %dma_wait3A_59] : memref<128x128xf32, #tpu.memory_space<vmem>> -> memref<32x128xf32, #tpu.memory_space<vmem>>
      %dma_wait3A_61 = arith.constant 0 : i32
      %dma_wait3A_62 = arith.constant 0 : i32
      %dma_wait3A_63 = tpu.memref_slice %arg3[%dma_wait3A_61, %dma_wait3A_62] : memref<320000x128xf32, #tpu.memory_space<hbm>> -> memref<32x128xf32, #tpu.memory_space<hbm>>
      tpu.wait_dma2 semaphore(%arg18 : memref<!tpu.dma_semaphore, #tpu.memory_space<semaphore_mem>>) src(%dma_wait3A_63 : memref<32x128xf32, #tpu.memory_space<hbm>>) dst(%dma_wait3A_60 : memref<32x128xf32, #tpu.memory_space<vmem>>)
      "tpu.region"() ({
        %run_scoped3A = tpu.sem_alloc : memref<!tpu.dma_semaphore, #tpu.memory_space<semaphore_mem>>
        %dma_start3A_84 = arith.constant 0 : i32
        %dma_start3A_85 = arith.constant 0 : i32
        %dma_start3A_86 = tpu.memref_slice %arg15[%dma_start3A_84, %dma_start3A_85] : memref<128x128xf32, #tpu.memory_space<vmem>> -> memref<32x128xf32, #tpu.memory_space<vmem>>
        %dma_start3A_87 = arith.constant 0 : i32
        %dma_start3A_88 = arith.constant 0 : i32
        %dma_start3A_89 = tpu.memref_slice %arg9[%dma_start3A_87, %dma_start3A_88] : memref<10000x128xf32, #tpu.memory_space<vmem_shared>> -> memref<10000x128xf32, #tpu.memory_space<vmem_shared>>
        tpu.enqueue_indirect_dma source(%dma_start3A_86 : memref<32x128xf32, #tpu.memory_space<vmem>>) target(%dma_start3A_89 : memref<10000x128xf32, #tpu.memory_space<vmem_shared>>) offsets(%arg22 : memref<32xi32, #tpu.memory_space<vmem>>) semaphore(%run_scoped3A : memref<!tpu.dma_semaphore, #tpu.memory_space<semaphore_mem>>) {add = true}
        %dma_wait3A_90 = arith.constant 0 : i32
        %dma_wait3A_91 = arith.constant 0 : i32
        %dma_wait3A_92 = tpu.memref_slice %arg15[%dma_wait3A_90, %dma_wait3A_91] : memref<128x128xf32, #tpu.memory_space<vmem>> -> memref<32x128xf32, #tpu.memory_space<vmem>>
        %dma_wait3A_93 = arith.constant 0 : i32
        %dma_wait3A_94 = arith.constant 0 : i32
        %dma_wait3A_95 = tpu.memref_slice %arg9[%dma_wait3A_93, %dma_wait3A_94] : memref<10000x128xf32, #tpu.memory_space<vmem_shared>> -> memref<10000x128xf32, #tpu.memory_space<vmem_shared>>
        tpu.wait_indirect_dma semaphore(%run_scoped3A : memref<!tpu.dma_semaphore, #tpu.memory_space<semaphore_mem>>) src(%dma_wait3A_92 : memref<32x128xf32, #tpu.memory_space<vmem>>) dst(%dma_wait3A_95 : memref<10000x128xf32, #tpu.memory_space<vmem_shared>>)
        tpu.yield
      }) : () -> ()
      %scan3A = arith.constant 0 : i32
      %scan3A_64 = arith.constant 0 : i32
      %scan3A_65 = arith.constant 52 : i32
      %scan3A_66 = arith.addi %scan3A_64, %scan3A_65 : i32
      %scan3A_67 = arith.constant 1 : i32
      scf.for %scan3A_84 = %scan3A_64 to %scan3A_66 step %scan3A_67  : i32 {
        %mul3A_85 = arith.constant 3 : i32
        %mul3A_86 = arith.muli %scan3A_84, %mul3A_85 : i32
        %add3A_87 = arith.constant 0 : i32
        %add3A_88 = arith.addi %mul3A_86, %add3A_87 : i32
        %add3A_89 = arith.constant 2 : i32
        %add3A_90 = arith.addi %add3A_88, %add3A_89 : i32
        %lt3A = arith.constant 156 : i32
        %lt3A_91 = arith.cmpi slt, %add3A_90, %lt3A : i32
        %convert_element_type3A_92 = arith.extui %lt3A_91 : i1 to i32
        %cond3A_93 = arith.constant 0 : i32
        %cond3A_94 = arith.cmpi ne, %convert_element_type3A_92, %cond3A_93 : i32
        scf.if %cond3A_94 {
          %ge3A = arith.constant 1 : i32
          %ge3A_156 = arith.cmpi sge, %add3A_88, %ge3A : i32
          %convert_element_type3A_157 = arith.extui %ge3A_156 : i1 to i32
          %cond3A_158 = arith.constant 0 : i32
          %cond3A_159 = arith.cmpi ne, %convert_element_type3A_157, %cond3A_158 : i32
          scf.if %cond3A_159 {
            %dma_wait3A_173 = arith.constant 0 : i32
            %dma_wait3A_174 = arith.constant 0 : i32
            %dma_wait3A_175 = tpu.memref_slice %arg9[%dma_wait3A_173, %dma_wait3A_174] : memref<10000x128xf32, #tpu.memory_space<vmem_shared>> -> memref<10000x128xf32, #tpu.memory_space<vmem_shared>>
            tpu.wait_indirect_dma semaphore(%arg21 : memref<!tpu.dma_semaphore, #tpu.memory_space<semaphore_mem>>) src(%arg15 : memref<128x128xf32, #tpu.memory_space<vmem>>) dst(%dma_wait3A_175 : memref<10000x128xf32, #tpu.memory_space<vmem_shared>>)
          } else {
          }
          %add3A_160 = arith.constant 2 : i32
          %add3A_161 = arith.addi %add3A_88, %add3A_160 : i32
          %mul3A_162 = arith.constant 128 : i32
          %mul3A_163 = arith.muli %add3A_161, %mul3A_162 : i32
          %add3A_164 = arith.addi %mul3A_2, %mul3A_163 : i32
          %add3A_165 = arith.constant 320000 : i32
          %add3A_166 = arith.addi %add3A_165, %add3A_164 : i32
          %dma_start3A_167 = tpu.memref_slice %arg2[%add3A_166] : memref<640000xi32, #tpu.memory_space<hbm>> -> memref<128xi32, #tpu.memory_space<hbm>>
          %dma_start3A_168 = tpu.memref_slice %arg2[%add3A_166] : memref<640000xi32, #tpu.memory_space<hbm>> -> memref<128xi32, #tpu.memory_space<hbm>>
          tpu.enqueue_dma source(%dma_start3A_168 : memref<128xi32, #tpu.memory_space<hbm>>) target(%arg12 : memref<128xi32, #tpu.memory_space<vmem>>) target_semaphore(%arg18 : memref<!tpu.dma_semaphore, #tpu.memory_space<semaphore_mem>>)
          %dma_start3A_169 = arith.constant 0 : i32
          %dma_start3A_170 = tpu.memref_slice %arg3[%add3A_164, %dma_start3A_169] : memref<320000x128xf32, #tpu.memory_space<hbm>> -> memref<128x128xf32, #tpu.memory_space<hbm>>
          %dma_start3A_171 = arith.constant 0 : i32
          %dma_start3A_172 = tpu.memref_slice %arg3[%add3A_164, %dma_start3A_171] : memref<320000x128xf32, #tpu.memory_space<hbm>> -> memref<128x128xf32, #tpu.memory_space<hbm>>
          tpu.enqueue_dma source(%dma_start3A_172 : memref<128x128xf32, #tpu.memory_space<hbm>>) target(%arg15 : memref<128x128xf32, #tpu.memory_space<vmem>>) target_semaphore(%arg18 : memref<!tpu.dma_semaphore, #tpu.memory_space<semaphore_mem>>)
        } else {
        }
        %dma_wait3A_95 = arith.constant 0 : i32
        %dma_wait3A_96 = tpu.memref_slice %arg2[%dma_wait3A_95] : memref<640000xi32, #tpu.memory_space<hbm>> -> memref<128xi32, #tpu.memory_space<hbm>>
        %dma_wait3A_97 = arith.constant 0 : i32
        %dma_wait3A_98 = tpu.memref_slice %arg2[%dma_wait3A_97] : memref<640000xi32, #tpu.memory_space<hbm>> -> memref<128xi32, #tpu.memory_space<hbm>>
        tpu.wait_dma2 semaphore(%arg16 : memref<!tpu.dma_semaphore, #tpu.memory_space<semaphore_mem>>) src(%dma_wait3A_98 : memref<128xi32, #tpu.memory_space<hbm>>) dst(%arg10 : memref<128xi32, #tpu.memory_space<vmem>>)
        %dma_wait3A_99 = arith.constant 0 : i32
        %dma_wait3A_100 = arith.constant 0 : i32
        %dma_wait3A_101 = tpu.memref_slice %arg3[%dma_wait3A_99, %dma_wait3A_100] : memref<320000x128xf32, #tpu.memory_space<hbm>> -> memref<128x128xf32, #tpu.memory_space<hbm>>
        %dma_wait3A_102 = arith.constant 0 : i32
        %dma_wait3A_103 = arith.constant 0 : i32
        %dma_wait3A_104 = tpu.memref_slice %arg3[%dma_wait3A_102, %dma_wait3A_103] : memref<320000x128xf32, #tpu.memory_space<hbm>> -> memref<128x128xf32, #tpu.memory_space<hbm>>
        tpu.wait_dma2 semaphore(%arg16 : memref<!tpu.dma_semaphore, #tpu.memory_space<semaphore_mem>>) src(%dma_wait3A_104 : memref<128x128xf32, #tpu.memory_space<hbm>>) dst(%arg13 : memref<128x128xf32, #tpu.memory_space<vmem>>)
        %dma_start3A_105 = arith.constant 0 : i32
        %dma_start3A_106 = arith.constant 0 : i32
        %dma_start3A_107 = tpu.memref_slice %arg9[%dma_start3A_105, %dma_start3A_106] : memref<10000x128xf32, #tpu.memory_space<vmem_shared>> -> memref<10000x128xf32, #tpu.memory_space<vmem_shared>>
        tpu.enqueue_indirect_dma source(%arg13 : memref<128x128xf32, #tpu.memory_space<vmem>>) target(%dma_start3A_107 : memref<10000x128xf32, #tpu.memory_space<vmem_shared>>) offsets(%arg10 : memref<128xi32, #tpu.memory_space<vmem>>) semaphore(%arg19 : memref<!tpu.dma_semaphore, #tpu.memory_space<semaphore_mem>>) {add = true}
        %mul3A_108 = arith.constant 3 : i32
        %mul3A_109 = arith.muli %scan3A_84, %mul3A_108 : i32
        %add3A_110 = arith.constant 1 : i32
        %add3A_111 = arith.addi %mul3A_109, %add3A_110 : i32
        %add3A_112 = arith.constant 2 : i32
        %add3A_113 = arith.addi %add3A_111, %add3A_112 : i32
        %lt3A_114 = arith.constant 156 : i32
        %lt3A_115 = arith.cmpi slt, %add3A_113, %lt3A_114 : i32
        %convert_element_type3A_116 = arith.extui %lt3A_115 : i1 to i32
        %cond3A_117 = arith.constant 0 : i32
        %cond3A_118 = arith.cmpi ne, %convert_element_type3A_116, %cond3A_117 : i32
        scf.if %cond3A_118 {
          %ge3A = arith.constant 1 : i32
          %ge3A_156 = arith.cmpi sge, %add3A_111, %ge3A : i32
          %convert_element_type3A_157 = arith.extui %ge3A_156 : i1 to i32
          %cond3A_158 = arith.constant 0 : i32
          %cond3A_159 = arith.cmpi ne, %convert_element_type3A_157, %cond3A_158 : i32
          scf.if %cond3A_159 {
            %dma_wait3A_173 = arith.constant 0 : i32
            %dma_wait3A_174 = arith.constant 0 : i32
            %dma_wait3A_175 = tpu.memref_slice %arg9[%dma_wait3A_173, %dma_wait3A_174] : memref<10000x128xf32, #tpu.memory_space<vmem_shared>> -> memref<10000x128xf32, #tpu.memory_space<vmem_shared>>
            tpu.wait_indirect_dma semaphore(%arg19 : memref<!tpu.dma_semaphore, #tpu.memory_space<semaphore_mem>>) src(%arg13 : memref<128x128xf32, #tpu.memory_space<vmem>>) dst(%dma_wait3A_175 : memref<10000x128xf32, #tpu.memory_space<vmem_shared>>)
          } else {
          }
          %add3A_160 = arith.constant 2 : i32
          %add3A_161 = arith.addi %add3A_111, %add3A_160 : i32
          %mul3A_162 = arith.constant 128 : i32
          %mul3A_163 = arith.muli %add3A_161, %mul3A_162 : i32
          %add3A_164 = arith.addi %mul3A_2, %mul3A_163 : i32
          %add3A_165 = arith.constant 320000 : i32
          %add3A_166 = arith.addi %add3A_165, %add3A_164 : i32
          %dma_start3A_167 = tpu.memref_slice %arg2[%add3A_166] : memref<640000xi32, #tpu.memory_space<hbm>> -> memref<128xi32, #tpu.memory_space<hbm>>
          %dma_start3A_168 = tpu.memref_slice %arg2[%add3A_166] : memref<640000xi32, #tpu.memory_space<hbm>> -> memref<128xi32, #tpu.memory_space<hbm>>
          tpu.enqueue_dma source(%dma_start3A_168 : memref<128xi32, #tpu.memory_space<hbm>>) target(%arg10 : memref<128xi32, #tpu.memory_space<vmem>>) target_semaphore(%arg16 : memref<!tpu.dma_semaphore, #tpu.memory_space<semaphore_mem>>)
          %dma_start3A_169 = arith.constant 0 : i32
          %dma_start3A_170 = tpu.memref_slice %arg3[%add3A_164, %dma_start3A_169] : memref<320000x128xf32, #tpu.memory_space<hbm>> -> memref<128x128xf32, #tpu.memory_space<hbm>>
          %dma_start3A_171 = arith.constant 0 : i32
          %dma_start3A_172 = tpu.memref_slice %arg3[%add3A_164, %dma_start3A_171] : memref<320000x128xf32, #tpu.memory_space<hbm>> -> memref<128x128xf32, #tpu.memory_space<hbm>>
          tpu.enqueue_dma source(%dma_start3A_172 : memref<128x128xf32, #tpu.memory_space<hbm>>) target(%arg13 : memref<128x128xf32, #tpu.memory_space<vmem>>) target_semaphore(%arg16 : memref<!tpu.dma_semaphore, #tpu.memory_space<semaphore_mem>>)
        } else {
        }
        %dma_wait3A_119 = arith.constant 0 : i32
        %dma_wait3A_120 = tpu.memref_slice %arg2[%dma_wait3A_119] : memref<640000xi32, #tpu.memory_space<hbm>> -> memref<128xi32, #tpu.memory_space<hbm>>
        %dma_wait3A_121 = arith.constant 0 : i32
        %dma_wait3A_122 = tpu.memref_slice %arg2[%dma_wait3A_121] : memref<640000xi32, #tpu.memory_space<hbm>> -> memref<128xi32, #tpu.memory_space<hbm>>
        tpu.wait_dma2 semaphore(%arg17 : memref<!tpu.dma_semaphore, #tpu.memory_space<semaphore_mem>>) src(%dma_wait3A_122 : memref<128xi32, #tpu.memory_space<hbm>>) dst(%arg11 : memref<128xi32, #tpu.memory_space<vmem>>)
        %dma_wait3A_123 = arith.constant 0 : i32
        %dma_wait3A_124 = arith.constant 0 : i32
        %dma_wait3A_125 = tpu.memref_slice %arg3[%dma_wait3A_123, %dma_wait3A_124] : memref<320000x128xf32, #tpu.memory_space<hbm>> -> memref<128x128xf32, #tpu.memory_space<hbm>>
        %dma_wait3A_126 = arith.constant 0 : i32
        %dma_wait3A_127 = arith.constant 0 : i32
        %dma_wait3A_128 = tpu.memref_slice %arg3[%dma_wait3A_126, %dma_wait3A_127] : memref<320000x128xf32, #tpu.memory_space<hbm>> -> memref<128x128xf32, #tpu.memory_space<hbm>>
        tpu.wait_dma2 semaphore(%arg17 : memref<!tpu.dma_semaphore, #tpu.memory_space<semaphore_mem>>) src(%dma_wait3A_128 : memref<128x128xf32, #tpu.memory_space<hbm>>) dst(%arg14 : memref<128x128xf32, #tpu.memory_space<vmem>>)
        %dma_start3A_129 = arith.constant 0 : i32
        %dma_start3A_130 = arith.constant 0 : i32
        %dma_start3A_131 = tpu.memref_slice %arg9[%dma_start3A_129, %dma_start3A_130] : memref<10000x128xf32, #tpu.memory_space<vmem_shared>> -> memref<10000x128xf32, #tpu.memory_space<vmem_shared>>
        tpu.enqueue_indirect_dma source(%arg14 : memref<128x128xf32, #tpu.memory_space<vmem>>) target(%dma_start3A_131 : memref<10000x128xf32, #tpu.memory_space<vmem_shared>>) offsets(%arg11 : memref<128xi32, #tpu.memory_space<vmem>>) semaphore(%arg20 : memref<!tpu.dma_semaphore, #tpu.memory_space<semaphore_mem>>) {add = true}
        %mul3A_132 = arith.constant 3 : i32
        %mul3A_133 = arith.muli %scan3A_84, %mul3A_132 : i32
        %add3A_134 = arith.constant 2 : i32
        %add3A_135 = arith.addi %mul3A_133, %add3A_134 : i32
        %add3A_136 = arith.constant 2 : i32
        %add3A_137 = arith.addi %add3A_135, %add3A_136 : i32
        %lt3A_138 = arith.constant 156 : i32
        %lt3A_139 = arith.cmpi slt, %add3A_137, %lt3A_138 : i32
        %convert_element_type3A_140 = arith.extui %lt3A_139 : i1 to i32
        %cond3A_141 = arith.constant 0 : i32
        %cond3A_142 = arith.cmpi ne, %convert_element_type3A_140, %cond3A_141 : i32
        scf.if %cond3A_142 {
          %ge3A = arith.constant 1 : i32
          %ge3A_156 = arith.cmpi sge, %add3A_135, %ge3A : i32
          %convert_element_type3A_157 = arith.extui %ge3A_156 : i1 to i32
          %cond3A_158 = arith.constant 0 : i32
          %cond3A_159 = arith.cmpi ne, %convert_element_type3A_157, %cond3A_158 : i32
          scf.if %cond3A_159 {
            %dma_wait3A_173 = arith.constant 0 : i32
            %dma_wait3A_174 = arith.constant 0 : i32
            %dma_wait3A_175 = tpu.memref_slice %arg9[%dma_wait3A_173, %dma_wait3A_174] : memref<10000x128xf32, #tpu.memory_space<vmem_shared>> -> memref<10000x128xf32, #tpu.memory_space<vmem_shared>>
            tpu.wait_indirect_dma semaphore(%arg20 : memref<!tpu.dma_semaphore, #tpu.memory_space<semaphore_mem>>) src(%arg14 : memref<128x128xf32, #tpu.memory_space<vmem>>) dst(%dma_wait3A_175 : memref<10000x128xf32, #tpu.memory_space<vmem_shared>>)
          } else {
          }
          %add3A_160 = arith.constant 2 : i32
          %add3A_161 = arith.addi %add3A_135, %add3A_160 : i32
          %mul3A_162 = arith.constant 128 : i32
          %mul3A_163 = arith.muli %add3A_161, %mul3A_162 : i32
          %add3A_164 = arith.addi %mul3A_2, %mul3A_163 : i32
          %add3A_165 = arith.constant 320000 : i32
          %add3A_166 = arith.addi %add3A_165, %add3A_164 : i32
          %dma_start3A_167 = tpu.memref_slice %arg2[%add3A_166] : memref<640000xi32, #tpu.memory_space<hbm>> -> memref<128xi32, #tpu.memory_space<hbm>>
          %dma_start3A_168 = tpu.memref_slice %arg2[%add3A_166] : memref<640000xi32, #tpu.memory_space<hbm>> -> memref<128xi32, #tpu.memory_space<hbm>>
          tpu.enqueue_dma source(%dma_start3A_168 : memref<128xi32, #tpu.memory_space<hbm>>) target(%arg11 : memref<128xi32, #tpu.memory_space<vmem>>) target_semaphore(%arg17 : memref<!tpu.dma_semaphore, #tpu.memory_space<semaphore_mem>>)
          %dma_start3A_169 = arith.constant 0 : i32
          %dma_start3A_170 = tpu.memref_slice %arg3[%add3A_164, %dma_start3A_169] : memref<320000x128xf32, #tpu.memory_space<hbm>> -> memref<128x128xf32, #tpu.memory_space<hbm>>
          %dma_start3A_171 = arith.constant 0 : i32
          %dma_start3A_172 = tpu.memref_slice %arg3[%add3A_164, %dma_start3A_171] : memref<320000x128xf32, #tpu.memory_space<hbm>> -> memref<128x128xf32, #tpu.memory_space<hbm>>
          tpu.enqueue_dma source(%dma_start3A_172 : memref<128x128xf32, #tpu.memory_space<hbm>>) target(%arg14 : memref<128x128xf32, #tpu.memory_space<vmem>>) target_semaphore(%arg17 : memref<!tpu.dma_semaphore, #tpu.memory_space<semaphore_mem>>)
        } else {
        }
        %dma_wait3A_143 = arith.constant 0 : i32
        %dma_wait3A_144 = tpu.memref_slice %arg2[%dma_wait3A_143] : memref<640000xi32, #tpu.memory_space<hbm>> -> memref<128xi32, #tpu.memory_space<hbm>>
        %dma_wait3A_145 = arith.constant 0 : i32
        %dma_wait3A_146 = tpu.memref_slice %arg2[%dma_wait3A_145] : memref<640000xi32, #tpu.memory_space<hbm>> -> memref<128xi32, #tpu.memory_space<hbm>>
        tpu.wait_dma2 semaphore(%arg18 : memref<!tpu.dma_semaphore, #tpu.memory_space<semaphore_mem>>) src(%dma_wait3A_146 : memref<128xi32, #tpu.memory_space<hbm>>) dst(%arg12 : memref<128xi32, #tpu.memory_space<vmem>>)
        %dma_wait3A_147 = arith.constant 0 : i32
        %dma_wait3A_148 = arith.constant 0 : i32
        %dma_wait3A_149 = tpu.memref_slice %arg3[%dma_wait3A_147, %dma_wait3A_148] : memref<320000x128xf32, #tpu.memory_space<hbm>> -> memref<128x128xf32, #tpu.memory_space<hbm>>
        %dma_wait3A_150 = arith.constant 0 : i32
        %dma_wait3A_151 = arith.constant 0 : i32
        %dma_wait3A_152 = tpu.memref_slice %arg3[%dma_wait3A_150, %dma_wait3A_151] : memref<320000x128xf32, #tpu.memory_space<hbm>> -> memref<128x128xf32, #tpu.memory_space<hbm>>
        tpu.wait_dma2 semaphore(%arg18 : memref<!tpu.dma_semaphore, #tpu.memory_space<semaphore_mem>>) src(%dma_wait3A_152 : memref<128x128xf32, #tpu.memory_space<hbm>>) dst(%arg15 : memref<128x128xf32, #tpu.memory_space<vmem>>)
        %dma_start3A_153 = arith.constant 0 : i32
        %dma_start3A_154 = arith.constant 0 : i32
        %dma_start3A_155 = tpu.memref_slice %arg9[%dma_start3A_153, %dma_start3A_154] : memref<10000x128xf32, #tpu.memory_space<vmem_shared>> -> memref<10000x128xf32, #tpu.memory_space<vmem_shared>>
        tpu.enqueue_indirect_dma source(%arg15 : memref<128x128xf32, #tpu.memory_space<vmem>>) target(%dma_start3A_155 : memref<10000x128xf32, #tpu.memory_space<vmem_shared>>) offsets(%arg12 : memref<128xi32, #tpu.memory_space<vmem>>) semaphore(%arg21 : memref<!tpu.dma_semaphore, #tpu.memory_space<semaphore_mem>>) {add = true}
      }
      %scan3A_68 = arith.constant 52 : i32
      %dma_wait3A_69 = arith.constant 0 : i32
      %dma_wait3A_70 = arith.constant 0 : i32
      %dma_wait3A_71 = tpu.memref_slice %arg9[%dma_wait3A_69, %dma_wait3A_70] : memref<10000x128xf32, #tpu.memory_space<vmem_shared>> -> memref<10000x128xf32, #tpu.memory_space<vmem_shared>>
      tpu.wait_indirect_dma semaphore(%arg19 : memref<!tpu.dma_semaphore, #tpu.memory_space<semaphore_mem>>) src(%arg13 : memref<128x128xf32, #tpu.memory_space<vmem>>) dst(%dma_wait3A_71 : memref<10000x128xf32, #tpu.memory_space<vmem_shared>>)
      %dma_wait3A_72 = arith.constant 0 : i32
      %dma_wait3A_73 = arith.constant 0 : i32
      %dma_wait3A_74 = tpu.memref_slice %arg9[%dma_wait3A_72, %dma_wait3A_73] : memref<10000x128xf32, #tpu.memory_space<vmem_shared>> -> memref<10000x128xf32, #tpu.memory_space<vmem_shared>>
      tpu.wait_indirect_dma semaphore(%arg20 : memref<!tpu.dma_semaphore, #tpu.memory_space<semaphore_mem>>) src(%arg14 : memref<128x128xf32, #tpu.memory_space<vmem>>) dst(%dma_wait3A_74 : memref<10000x128xf32, #tpu.memory_space<vmem_shared>>)
      %dma_wait3A_75 = arith.constant 0 : i32
      %dma_wait3A_76 = arith.constant 0 : i32
      %dma_wait3A_77 = tpu.memref_slice %arg9[%dma_wait3A_75, %dma_wait3A_76] : memref<10000x128xf32, #tpu.memory_space<vmem_shared>> -> memref<10000x128xf32, #tpu.memory_space<vmem_shared>>
      tpu.wait_indirect_dma semaphore(%arg21 : memref<!tpu.dma_semaphore, #tpu.memory_space<semaphore_mem>>) src(%arg15 : memref<128x128xf32, #tpu.memory_space<vmem>>) dst(%dma_wait3A_77 : memref<10000x128xf32, #tpu.memory_space<vmem_shared>>)
      %barrier3A_78 = arith.constant 0 : index
      tpu.barrier barrier_id(%barrier3A_78)
      "tpu.region"() ({
        %run_scoped3A = tpu.sem_alloc : memref<!tpu.dma_semaphore, #tpu.memory_space<semaphore_mem>>
        %dma_start3A_84 = arith.constant 0 : i32
        %dma_start3A_85 = tpu.memref_slice %arg7[%mul3A_0, %dma_start3A_84] : memref<10000x128xf32, #tpu.memory_space<hbm>> -> memref<624x128xf32, #tpu.memory_space<hbm>>
        %dma_start3A_86 = arith.constant 0 : i32
        %dma_start3A_87 = tpu.memref_slice %arg9[%mul3A_0, %dma_start3A_86] : memref<10000x128xf32, #tpu.memory_space<vmem_shared>> -> memref<624x128xf32, #tpu.memory_space<vmem_shared>>
        tpu.enqueue_dma source(%dma_start3A_87 : memref<624x128xf32, #tpu.memory_space<vmem_shared>>) target(%dma_start3A_85 : memref<624x128xf32, #tpu.memory_space<hbm>>) target_semaphore(%run_scoped3A : memref<!tpu.dma_semaphore, #tpu.memory_space<semaphore_mem>>)
        %dma_wait3A_88 = arith.constant 0 : i32
        %dma_wait3A_89 = tpu.memref_slice %arg7[%mul3A_0, %dma_wait3A_88] : memref<10000x128xf32, #tpu.memory_space<hbm>> -> memref<624x128xf32, #tpu.memory_space<hbm>>
        %dma_wait3A_90 = arith.constant 0 : i32
        %dma_wait3A_91 = tpu.memref_slice %arg9[%mul3A_0, %dma_wait3A_90] : memref<10000x128xf32, #tpu.memory_space<vmem_shared>> -> memref<624x128xf32, #tpu.memory_space<vmem_shared>>
        tpu.wait_dma2 semaphore(%run_scoped3A : memref<!tpu.dma_semaphore, #tpu.memory_space<semaphore_mem>>) src(%dma_wait3A_91 : memref<624x128xf32, #tpu.memory_space<vmem_shared>>) dst(%dma_wait3A_89 : memref<624x128xf32, #tpu.memory_space<hbm>>)
        tpu.yield
      }) : () -> ()
      %eq3A_79 = arith.constant 0 : i32
      %eq3A_80 = arith.cmpi eq, %arg1, %eq3A_79 : i32
      %convert_element_type3A_81 = arith.extui %eq3A_80 : i1 to i32
      %cond3A_82 = arith.constant 0 : i32
      %cond3A_83 = arith.cmpi ne, %convert_element_type3A_81, %cond3A_82 : i32
      scf.if %cond3A_83 {
        "tpu.region"() ({
          %run_scoped3A = tpu.sem_alloc : memref<!tpu.dma_semaphore, #tpu.memory_space<semaphore_mem>>
          %dma_start3A_84 = arith.constant 9984 : i32
          %dma_start3A_85 = arith.constant 0 : i32
          %dma_start3A_86 = tpu.memref_slice %arg7[%dma_start3A_84, %dma_start3A_85] : memref<10000x128xf32, #tpu.memory_space<hbm>> -> memref<16x128xf32, #tpu.memory_space<hbm>>
          %dma_start3A_87 = arith.constant 9984 : i32
          %dma_start3A_88 = arith.constant 0 : i32
          %dma_start3A_89 = tpu.memref_slice %arg9[%dma_start3A_87, %dma_start3A_88] : memref<10000x128xf32, #tpu.memory_space<vmem_shared>> -> memref<16x128xf32, #tpu.memory_space<vmem_shared>>
          tpu.enqueue_dma source(%dma_start3A_89 : memref<16x128xf32, #tpu.memory_space<vmem_shared>>) target(%dma_start3A_86 : memref<16x128xf32, #tpu.memory_space<hbm>>) target_semaphore(%run_scoped3A : memref<!tpu.dma_semaphore, #tpu.memory_space<semaphore_mem>>)
          %dma_wait3A_90 = arith.constant 9984 : i32
          %dma_wait3A_91 = arith.constant 0 : i32
          %dma_wait3A_92 = tpu.memref_slice %arg7[%dma_wait3A_90, %dma_wait3A_91] : memref<10000x128xf32, #tpu.memory_space<hbm>> -> memref<16x128xf32, #tpu.memory_space<hbm>>
          %dma_wait3A_93 = arith.constant 9984 : i32
          %dma_wait3A_94 = arith.constant 0 : i32
          %dma_wait3A_95 = tpu.memref_slice %arg9[%dma_wait3A_93, %dma_wait3A_94] : memref<10000x128xf32, #tpu.memory_space<vmem_shared>> -> memref<16x128xf32, #tpu.memory_space<vmem_shared>>
          tpu.wait_dma2 semaphore(%run_scoped3A : memref<!tpu.dma_semaphore, #tpu.memory_space<semaphore_mem>>) src(%dma_wait3A_95 : memref<16x128xf32, #tpu.memory_space<vmem_shared>>) dst(%dma_wait3A_92 : memref<16x128xf32, #tpu.memory_space<hbm>>)
          tpu.yield
        }) : () -> ()
      } else {
      }
    } else {
    }
    %eq3A_5 = arith.constant 1 : i32
    %eq3A_6 = arith.cmpi eq, %arg0, %eq3A_5 : i32
    %convert_element_type3A_7 = arith.extui %eq3A_6 : i1 to i32
    %cond3A_8 = arith.constant 0 : i32
    %cond3A_9 = arith.cmpi ne, %convert_element_type3A_7, %cond3A_8 : i32
    scf.if %cond3A_9 {
      %add3A = arith.constant 0 : i32
      %add3A_10 = arith.addi %mul3A_2, %add3A : i32
      %add3A_11 = arith.constant 320000 : i32
      %add3A_12 = arith.addi %add3A_11, %add3A_10 : i32
      %dma_start3A = tpu.memref_slice %arg4[%add3A_12] : memref<640000xi32, #tpu.memory_space<hbm>> -> memref<128xi32, #tpu.memory_space<hbm>>
      %dma_start3A_13 = tpu.memref_slice %arg4[%add3A_12] : memref<640000xi32, #tpu.memory_space<hbm>> -> memref<128xi32, #tpu.memory_space<hbm>>
      tpu.enqueue_dma source(%dma_start3A_13 : memref<128xi32, #tpu.memory_space<hbm>>) target(%arg10 : memref<128xi32, #tpu.memory_space<vmem>>) target_semaphore(%arg16 : memref<!tpu.dma_semaphore, #tpu.memory_space<semaphore_mem>>)
      %dma_start3A_14 = arith.constant 0 : i32
      %dma_start3A_15 = tpu.memref_slice %arg5[%add3A_10, %dma_start3A_14] : memref<320000x128xf32, #tpu.memory_space<hbm>> -> memref<128x128xf32, #tpu.memory_space<hbm>>
      %dma_start3A_16 = arith.constant 0 : i32
      %dma_start3A_17 = tpu.memref_slice %arg5[%add3A_10, %dma_start3A_16] : memref<320000x128xf32, #tpu.memory_space<hbm>> -> memref<128x128xf32, #tpu.memory_space<hbm>>
      tpu.enqueue_dma source(%dma_start3A_17 : memref<128x128xf32, #tpu.memory_space<hbm>>) target(%arg13 : memref<128x128xf32, #tpu.memory_space<vmem>>) target_semaphore(%arg16 : memref<!tpu.dma_semaphore, #tpu.memory_space<semaphore_mem>>)
      %add3A_18 = arith.constant 128 : i32
      %add3A_19 = arith.addi %mul3A_2, %add3A_18 : i32
      %add3A_20 = arith.constant 320000 : i32
      %add3A_21 = arith.addi %add3A_20, %add3A_19 : i32
      %dma_start3A_22 = tpu.memref_slice %arg4[%add3A_21] : memref<640000xi32, #tpu.memory_space<hbm>> -> memref<128xi32, #tpu.memory_space<hbm>>
      %dma_start3A_23 = tpu.memref_slice %arg4[%add3A_21] : memref<640000xi32, #tpu.memory_space<hbm>> -> memref<128xi32, #tpu.memory_space<hbm>>
      tpu.enqueue_dma source(%dma_start3A_23 : memref<128xi32, #tpu.memory_space<hbm>>) target(%arg11 : memref<128xi32, #tpu.memory_space<vmem>>) target_semaphore(%arg17 : memref<!tpu.dma_semaphore, #tpu.memory_space<semaphore_mem>>)
      %dma_start3A_24 = arith.constant 0 : i32
      %dma_start3A_25 = tpu.memref_slice %arg5[%add3A_19, %dma_start3A_24] : memref<320000x128xf32, #tpu.memory_space<hbm>> -> memref<128x128xf32, #tpu.memory_space<hbm>>
      %dma_start3A_26 = arith.constant 0 : i32
      %dma_start3A_27 = tpu.memref_slice %arg5[%add3A_19, %dma_start3A_26] : memref<320000x128xf32, #tpu.memory_space<hbm>> -> memref<128x128xf32, #tpu.memory_space<hbm>>
      tpu.enqueue_dma source(%dma_start3A_27 : memref<128x128xf32, #tpu.memory_space<hbm>>) target(%arg14 : memref<128x128xf32, #tpu.memory_space<vmem>>) target_semaphore(%arg17 : memref<!tpu.dma_semaphore, #tpu.memory_space<semaphore_mem>>)
      %add3A_28 = arith.constant 19968 : i32
      %add3A_29 = arith.addi %mul3A_2, %add3A_28 : i32
      %add3A_30 = arith.constant 320000 : i32
      %add3A_31 = arith.addi %add3A_30, %add3A_29 : i32
      %dma_start3A_32 = tpu.memref_slice %arg4[%add3A_31] : memref<640000xi32, #tpu.memory_space<hbm>> -> memref<32xi32, #tpu.memory_space<hbm>>
      %dma_start3A_33 = tpu.memref_slice %arg4[%add3A_31] : memref<640000xi32, #tpu.memory_space<hbm>> -> memref<32xi32, #tpu.memory_space<hbm>>
      tpu.enqueue_dma source(%dma_start3A_33 : memref<32xi32, #tpu.memory_space<hbm>>) target(%arg22 : memref<32xi32, #tpu.memory_space<vmem>>) target_semaphore(%arg18 : memref<!tpu.dma_semaphore, #tpu.memory_space<semaphore_mem>>)
      %dma_start3A_34 = arith.constant 0 : i32
      %dma_start3A_35 = arith.constant 0 : i32
      %dma_start3A_36 = tpu.memref_slice %arg15[%dma_start3A_34, %dma_start3A_35] : memref<128x128xf32, #tpu.memory_space<vmem>> -> memref<32x128xf32, #tpu.memory_space<vmem>>
      %dma_start3A_37 = arith.constant 0 : i32
      %dma_start3A_38 = tpu.memref_slice %arg5[%add3A_29, %dma_start3A_37] : memref<320000x128xf32, #tpu.memory_space<hbm>> -> memref<32x128xf32, #tpu.memory_space<hbm>>
      %dma_start3A_39 = arith.constant 0 : i32
      %dma_start3A_40 = arith.constant 0 : i32
      %dma_start3A_41 = tpu.memref_slice %arg15[%dma_start3A_39, %dma_start3A_40] : memref<128x128xf32, #tpu.memory_space<vmem>> -> memref<32x128xf32, #tpu.memory_space<vmem>>
      %dma_start3A_42 = arith.constant 0 : i32
      %dma_start3A_43 = tpu.memref_slice %arg5[%add3A_29, %dma_start3A_42] : memref<320000x128xf32, #tpu.memory_space<hbm>> -> memref<32x128xf32, #tpu.memory_space<hbm>>
      tpu.enqueue_dma source(%dma_start3A_43 : memref<32x128xf32, #tpu.memory_space<hbm>>) target(%dma_start3A_41 : memref<32x128xf32, #tpu.memory_space<vmem>>) target_semaphore(%arg18 : memref<!tpu.dma_semaphore, #tpu.memory_space<semaphore_mem>>)
      "tpu.region"() ({
        %run_scoped3A = tpu.sem_alloc : memref<!tpu.dma_semaphore, #tpu.memory_space<semaphore_mem>>
        %dma_start3A_84 = arith.constant 0 : i32
        %dma_start3A_85 = tpu.memref_slice %arg9[%mul3A_0, %dma_start3A_84] : memref<10000x128xf32, #tpu.memory_space<vmem_shared>> -> memref<624x128xf32, #tpu.memory_space<vmem_shared>>
        %dma_start3A_86 = arith.constant 0 : i32
        %dma_start3A_87 = arith.constant 0 : i32
        %dma_start3A_88 = tpu.memref_slice %arg6[%dma_start3A_86, %dma_start3A_87] : memref<640x128xf32, #tpu.memory_space<hbm>> -> memref<624x128xf32, #tpu.memory_space<hbm>>
        tpu.enqueue_dma source(%dma_start3A_88 : memref<624x128xf32, #tpu.memory_space<hbm>>) target(%dma_start3A_85 : memref<624x128xf32, #tpu.memory_space<vmem_shared>>) target_semaphore(%run_scoped3A : memref<!tpu.dma_semaphore, #tpu.memory_space<semaphore_mem>>)
        %dma_wait3A_89 = arith.constant 0 : i32
        %dma_wait3A_90 = tpu.memref_slice %arg9[%mul3A_0, %dma_wait3A_89] : memref<10000x128xf32, #tpu.memory_space<vmem_shared>> -> memref<624x128xf32, #tpu.memory_space<vmem_shared>>
        %dma_wait3A_91 = arith.constant 0 : i32
        %dma_wait3A_92 = arith.constant 0 : i32
        %dma_wait3A_93 = tpu.memref_slice %arg6[%dma_wait3A_91, %dma_wait3A_92] : memref<640x128xf32, #tpu.memory_space<hbm>> -> memref<624x128xf32, #tpu.memory_space<hbm>>
        tpu.wait_dma2 semaphore(%run_scoped3A : memref<!tpu.dma_semaphore, #tpu.memory_space<semaphore_mem>>) src(%dma_wait3A_93 : memref<624x128xf32, #tpu.memory_space<hbm>>) dst(%dma_wait3A_90 : memref<624x128xf32, #tpu.memory_space<vmem_shared>>)
        tpu.yield
      }) : () -> ()
      %eq3A_44 = arith.constant 0 : i32
      %eq3A_45 = arith.cmpi eq, %arg1, %eq3A_44 : i32
      %convert_element_type3A_46 = arith.extui %eq3A_45 : i1 to i32
      %cond3A_47 = arith.constant 0 : i32
      %cond3A_48 = arith.cmpi ne, %convert_element_type3A_46, %cond3A_47 : i32
      scf.if %cond3A_48 {
        "tpu.region"() ({
          %run_scoped3A = tpu.sem_alloc : memref<!tpu.dma_semaphore, #tpu.memory_space<semaphore_mem>>
          %dma_start3A_84 = arith.constant 9984 : i32
          %dma_start3A_85 = arith.constant 0 : i32
          %dma_start3A_86 = tpu.memref_slice %arg9[%dma_start3A_84, %dma_start3A_85] : memref<10000x128xf32, #tpu.memory_space<vmem_shared>> -> memref<16x128xf32, #tpu.memory_space<vmem_shared>>
          %dma_start3A_87 = arith.constant 624 : i32
          %dma_start3A_88 = arith.constant 0 : i32
          %dma_start3A_89 = tpu.memref_slice %arg6[%dma_start3A_87, %dma_start3A_88] : memref<640x128xf32, #tpu.memory_space<hbm>> -> memref<16x128xf32, #tpu.memory_space<hbm>>
          tpu.enqueue_dma source(%dma_start3A_89 : memref<16x128xf32, #tpu.memory_space<hbm>>) target(%dma_start3A_86 : memref<16x128xf32, #tpu.memory_space<vmem_shared>>) target_semaphore(%run_scoped3A : memref<!tpu.dma_semaphore, #tpu.memory_space<semaphore_mem>>)
          %dma_wait3A_90 = arith.constant 9984 : i32
          %dma_wait3A_91 = arith.constant 0 : i32
          %dma_wait3A_92 = tpu.memref_slice %arg9[%dma_wait3A_90, %dma_wait3A_91] : memref<10000x128xf32, #tpu.memory_space<vmem_shared>> -> memref<16x128xf32, #tpu.memory_space<vmem_shared>>
          %dma_wait3A_93 = arith.constant 624 : i32
          %dma_wait3A_94 = arith.constant 0 : i32
          %dma_wait3A_95 = tpu.memref_slice %arg6[%dma_wait3A_93, %dma_wait3A_94] : memref<640x128xf32, #tpu.memory_space<hbm>> -> memref<16x128xf32, #tpu.memory_space<hbm>>
          tpu.wait_dma2 semaphore(%run_scoped3A : memref<!tpu.dma_semaphore, #tpu.memory_space<semaphore_mem>>) src(%dma_wait3A_95 : memref<16x128xf32, #tpu.memory_space<hbm>>) dst(%dma_wait3A_92 : memref<16x128xf32, #tpu.memory_space<vmem_shared>>)
          tpu.yield
        }) : () -> ()
      } else {
      }
      %barrier3A = arith.constant 0 : index
      tpu.barrier barrier_id(%barrier3A)
      %dma_wait3A = arith.constant 0 : i32
      %dma_wait3A_49 = tpu.memref_slice %arg4[%dma_wait3A] : memref<640000xi32, #tpu.memory_space<hbm>> -> memref<32xi32, #tpu.memory_space<hbm>>
      %dma_wait3A_50 = arith.constant 0 : i32
      %dma_wait3A_51 = tpu.memref_slice %arg4[%dma_wait3A_50] : memref<640000xi32, #tpu.memory_space<hbm>> -> memref<32xi32, #tpu.memory_space<hbm>>
      tpu.wait_dma2 semaphore(%arg18 : memref<!tpu.dma_semaphore, #tpu.memory_space<semaphore_mem>>) src(%dma_wait3A_51 : memref<32xi32, #tpu.memory_space<hbm>>) dst(%arg22 : memref<32xi32, #tpu.memory_space<vmem>>)
      %dma_wait3A_52 = arith.constant 0 : i32
      %dma_wait3A_53 = arith.constant 0 : i32
      %dma_wait3A_54 = tpu.memref_slice %arg15[%dma_wait3A_52, %dma_wait3A_53] : memref<128x128xf32, #tpu.memory_space<vmem>> -> memref<32x128xf32, #tpu.memory_space<vmem>>
      %dma_wait3A_55 = arith.constant 0 : i32
      %dma_wait3A_56 = arith.constant 0 : i32
      %dma_wait3A_57 = tpu.memref_slice %arg5[%dma_wait3A_55, %dma_wait3A_56] : memref<320000x128xf32, #tpu.memory_space<hbm>> -> memref<32x128xf32, #tpu.memory_space<hbm>>
      %dma_wait3A_58 = arith.constant 0 : i32
      %dma_wait3A_59 = arith.constant 0 : i32
      %dma_wait3A_60 = tpu.memref_slice %arg15[%dma_wait3A_58, %dma_wait3A_59] : memref<128x128xf32, #tpu.memory_space<vmem>> -> memref<32x128xf32, #tpu.memory_space<vmem>>
      %dma_wait3A_61 = arith.constant 0 : i32
      %dma_wait3A_62 = arith.constant 0 : i32
      %dma_wait3A_63 = tpu.memref_slice %arg5[%dma_wait3A_61, %dma_wait3A_62] : memref<320000x128xf32, #tpu.memory_space<hbm>> -> memref<32x128xf32, #tpu.memory_space<hbm>>
      tpu.wait_dma2 semaphore(%arg18 : memref<!tpu.dma_semaphore, #tpu.memory_space<semaphore_mem>>) src(%dma_wait3A_63 : memref<32x128xf32, #tpu.memory_space<hbm>>) dst(%dma_wait3A_60 : memref<32x128xf32, #tpu.memory_space<vmem>>)
      "tpu.region"() ({
        %run_scoped3A = tpu.sem_alloc : memref<!tpu.dma_semaphore, #tpu.memory_space<semaphore_mem>>
        %dma_start3A_84 = arith.constant 0 : i32
        %dma_start3A_85 = arith.constant 0 : i32
        %dma_start3A_86 = tpu.memref_slice %arg15[%dma_start3A_84, %dma_start3A_85] : memref<128x128xf32, #tpu.memory_space<vmem>> -> memref<32x128xf32, #tpu.memory_space<vmem>>
        %dma_start3A_87 = arith.constant 0 : i32
        %dma_start3A_88 = arith.constant 0 : i32
        %dma_start3A_89 = tpu.memref_slice %arg9[%dma_start3A_87, %dma_start3A_88] : memref<10000x128xf32, #tpu.memory_space<vmem_shared>> -> memref<10000x128xf32, #tpu.memory_space<vmem_shared>>
        tpu.enqueue_indirect_dma source(%dma_start3A_86 : memref<32x128xf32, #tpu.memory_space<vmem>>) target(%dma_start3A_89 : memref<10000x128xf32, #tpu.memory_space<vmem_shared>>) offsets(%arg22 : memref<32xi32, #tpu.memory_space<vmem>>) semaphore(%run_scoped3A : memref<!tpu.dma_semaphore, #tpu.memory_space<semaphore_mem>>) {add = true}
        %dma_wait3A_90 = arith.constant 0 : i32
        %dma_wait3A_91 = arith.constant 0 : i32
        %dma_wait3A_92 = tpu.memref_slice %arg15[%dma_wait3A_90, %dma_wait3A_91] : memref<128x128xf32, #tpu.memory_space<vmem>> -> memref<32x128xf32, #tpu.memory_space<vmem>>
        %dma_wait3A_93 = arith.constant 0 : i32
        %dma_wait3A_94 = arith.constant 0 : i32
        %dma_wait3A_95 = tpu.memref_slice %arg9[%dma_wait3A_93, %dma_wait3A_94] : memref<10000x128xf32, #tpu.memory_space<vmem_shared>> -> memref<10000x128xf32, #tpu.memory_space<vmem_shared>>
        tpu.wait_indirect_dma semaphore(%run_scoped3A : memref<!tpu.dma_semaphore, #tpu.memory_space<semaphore_mem>>) src(%dma_wait3A_92 : memref<32x128xf32, #tpu.memory_space<vmem>>) dst(%dma_wait3A_95 : memref<10000x128xf32, #tpu.memory_space<vmem_shared>>)
        tpu.yield
      }) : () -> ()
      %scan3A = arith.constant 0 : i32
      %scan3A_64 = arith.constant 0 : i32
      %scan3A_65 = arith.constant 52 : i32
      %scan3A_66 = arith.addi %scan3A_64, %scan3A_65 : i32
      %scan3A_67 = arith.constant 1 : i32
      scf.for %scan3A_84 = %scan3A_64 to %scan3A_66 step %scan3A_67  : i32 {
        %mul3A_85 = arith.constant 3 : i32
        %mul3A_86 = arith.muli %scan3A_84, %mul3A_85 : i32
        %add3A_87 = arith.constant 0 : i32
        %add3A_88 = arith.addi %mul3A_86, %add3A_87 : i32
        %add3A_89 = arith.constant 2 : i32
        %add3A_90 = arith.addi %add3A_88, %add3A_89 : i32
        %lt3A = arith.constant 156 : i32
        %lt3A_91 = arith.cmpi slt, %add3A_90, %lt3A : i32
        %convert_element_type3A_92 = arith.extui %lt3A_91 : i1 to i32
        %cond3A_93 = arith.constant 0 : i32
        %cond3A_94 = arith.cmpi ne, %convert_element_type3A_92, %cond3A_93 : i32
        scf.if %cond3A_94 {
          %ge3A = arith.constant 1 : i32
          %ge3A_156 = arith.cmpi sge, %add3A_88, %ge3A : i32
          %convert_element_type3A_157 = arith.extui %ge3A_156 : i1 to i32
          %cond3A_158 = arith.constant 0 : i32
          %cond3A_159 = arith.cmpi ne, %convert_element_type3A_157, %cond3A_158 : i32
          scf.if %cond3A_159 {
            %dma_wait3A_173 = arith.constant 0 : i32
            %dma_wait3A_174 = arith.constant 0 : i32
            %dma_wait3A_175 = tpu.memref_slice %arg9[%dma_wait3A_173, %dma_wait3A_174] : memref<10000x128xf32, #tpu.memory_space<vmem_shared>> -> memref<10000x128xf32, #tpu.memory_space<vmem_shared>>
            tpu.wait_indirect_dma semaphore(%arg21 : memref<!tpu.dma_semaphore, #tpu.memory_space<semaphore_mem>>) src(%arg15 : memref<128x128xf32, #tpu.memory_space<vmem>>) dst(%dma_wait3A_175 : memref<10000x128xf32, #tpu.memory_space<vmem_shared>>)
          } else {
          }
          %add3A_160 = arith.constant 2 : i32
          %add3A_161 = arith.addi %add3A_88, %add3A_160 : i32
          %mul3A_162 = arith.constant 128 : i32
          %mul3A_163 = arith.muli %add3A_161, %mul3A_162 : i32
          %add3A_164 = arith.addi %mul3A_2, %mul3A_163 : i32
          %add3A_165 = arith.constant 320000 : i32
          %add3A_166 = arith.addi %add3A_165, %add3A_164 : i32
          %dma_start3A_167 = tpu.memref_slice %arg4[%add3A_166] : memref<640000xi32, #tpu.memory_space<hbm>> -> memref<128xi32, #tpu.memory_space<hbm>>
          %dma_start3A_168 = tpu.memref_slice %arg4[%add3A_166] : memref<640000xi32, #tpu.memory_space<hbm>> -> memref<128xi32, #tpu.memory_space<hbm>>
          tpu.enqueue_dma source(%dma_start3A_168 : memref<128xi32, #tpu.memory_space<hbm>>) target(%arg12 : memref<128xi32, #tpu.memory_space<vmem>>) target_semaphore(%arg18 : memref<!tpu.dma_semaphore, #tpu.memory_space<semaphore_mem>>)
          %dma_start3A_169 = arith.constant 0 : i32
          %dma_start3A_170 = tpu.memref_slice %arg5[%add3A_164, %dma_start3A_169] : memref<320000x128xf32, #tpu.memory_space<hbm>> -> memref<128x128xf32, #tpu.memory_space<hbm>>
          %dma_start3A_171 = arith.constant 0 : i32
          %dma_start3A_172 = tpu.memref_slice %arg5[%add3A_164, %dma_start3A_171] : memref<320000x128xf32, #tpu.memory_space<hbm>> -> memref<128x128xf32, #tpu.memory_space<hbm>>
          tpu.enqueue_dma source(%dma_start3A_172 : memref<128x128xf32, #tpu.memory_space<hbm>>) target(%arg15 : memref<128x128xf32, #tpu.memory_space<vmem>>) target_semaphore(%arg18 : memref<!tpu.dma_semaphore, #tpu.memory_space<semaphore_mem>>)
        } else {
        }
        %dma_wait3A_95 = arith.constant 0 : i32
        %dma_wait3A_96 = tpu.memref_slice %arg4[%dma_wait3A_95] : memref<640000xi32, #tpu.memory_space<hbm>> -> memref<128xi32, #tpu.memory_space<hbm>>
        %dma_wait3A_97 = arith.constant 0 : i32
        %dma_wait3A_98 = tpu.memref_slice %arg4[%dma_wait3A_97] : memref<640000xi32, #tpu.memory_space<hbm>> -> memref<128xi32, #tpu.memory_space<hbm>>
        tpu.wait_dma2 semaphore(%arg16 : memref<!tpu.dma_semaphore, #tpu.memory_space<semaphore_mem>>) src(%dma_wait3A_98 : memref<128xi32, #tpu.memory_space<hbm>>) dst(%arg10 : memref<128xi32, #tpu.memory_space<vmem>>)
        %dma_wait3A_99 = arith.constant 0 : i32
        %dma_wait3A_100 = arith.constant 0 : i32
        %dma_wait3A_101 = tpu.memref_slice %arg5[%dma_wait3A_99, %dma_wait3A_100] : memref<320000x128xf32, #tpu.memory_space<hbm>> -> memref<128x128xf32, #tpu.memory_space<hbm>>
        %dma_wait3A_102 = arith.constant 0 : i32
        %dma_wait3A_103 = arith.constant 0 : i32
        %dma_wait3A_104 = tpu.memref_slice %arg5[%dma_wait3A_102, %dma_wait3A_103] : memref<320000x128xf32, #tpu.memory_space<hbm>> -> memref<128x128xf32, #tpu.memory_space<hbm>>
        tpu.wait_dma2 semaphore(%arg16 : memref<!tpu.dma_semaphore, #tpu.memory_space<semaphore_mem>>) src(%dma_wait3A_104 : memref<128x128xf32, #tpu.memory_space<hbm>>) dst(%arg13 : memref<128x128xf32, #tpu.memory_space<vmem>>)
        %dma_start3A_105 = arith.constant 0 : i32
        %dma_start3A_106 = arith.constant 0 : i32
        %dma_start3A_107 = tpu.memref_slice %arg9[%dma_start3A_105, %dma_start3A_106] : memref<10000x128xf32, #tpu.memory_space<vmem_shared>> -> memref<10000x128xf32, #tpu.memory_space<vmem_shared>>
        tpu.enqueue_indirect_dma source(%arg13 : memref<128x128xf32, #tpu.memory_space<vmem>>) target(%dma_start3A_107 : memref<10000x128xf32, #tpu.memory_space<vmem_shared>>) offsets(%arg10 : memref<128xi32, #tpu.memory_space<vmem>>) semaphore(%arg19 : memref<!tpu.dma_semaphore, #tpu.memory_space<semaphore_mem>>) {add = true}
        %mul3A_108 = arith.constant 3 : i32
        %mul3A_109 = arith.muli %scan3A_84, %mul3A_108 : i32
        %add3A_110 = arith.constant 1 : i32
        %add3A_111 = arith.addi %mul3A_109, %add3A_110 : i32
        %add3A_112 = arith.constant 2 : i32
        %add3A_113 = arith.addi %add3A_111, %add3A_112 : i32
        %lt3A_114 = arith.constant 156 : i32
        %lt3A_115 = arith.cmpi slt, %add3A_113, %lt3A_114 : i32
        %convert_element_type3A_116 = arith.extui %lt3A_115 : i1 to i32
        %cond3A_117 = arith.constant 0 : i32
        %cond3A_118 = arith.cmpi ne, %convert_element_type3A_116, %cond3A_117 : i32
        scf.if %cond3A_118 {
          %ge3A = arith.constant 1 : i32
          %ge3A_156 = arith.cmpi sge, %add3A_111, %ge3A : i32
          %convert_element_type3A_157 = arith.extui %ge3A_156 : i1 to i32
          %cond3A_158 = arith.constant 0 : i32
          %cond3A_159 = arith.cmpi ne, %convert_element_type3A_157, %cond3A_158 : i32
          scf.if %cond3A_159 {
            %dma_wait3A_173 = arith.constant 0 : i32
            %dma_wait3A_174 = arith.constant 0 : i32
            %dma_wait3A_175 = tpu.memref_slice %arg9[%dma_wait3A_173, %dma_wait3A_174] : memref<10000x128xf32, #tpu.memory_space<vmem_shared>> -> memref<10000x128xf32, #tpu.memory_space<vmem_shared>>
            tpu.wait_indirect_dma semaphore(%arg19 : memref<!tpu.dma_semaphore, #tpu.memory_space<semaphore_mem>>) src(%arg13 : memref<128x128xf32, #tpu.memory_space<vmem>>) dst(%dma_wait3A_175 : memref<10000x128xf32, #tpu.memory_space<vmem_shared>>)
          } else {
          }
          %add3A_160 = arith.constant 2 : i32
          %add3A_161 = arith.addi %add3A_111, %add3A_160 : i32
          %mul3A_162 = arith.constant 128 : i32
          %mul3A_163 = arith.muli %add3A_161, %mul3A_162 : i32
          %add3A_164 = arith.addi %mul3A_2, %mul3A_163 : i32
          %add3A_165 = arith.constant 320000 : i32
          %add3A_166 = arith.addi %add3A_165, %add3A_164 : i32
          %dma_start3A_167 = tpu.memref_slice %arg4[%add3A_166] : memref<640000xi32, #tpu.memory_space<hbm>> -> memref<128xi32, #tpu.memory_space<hbm>>
          %dma_start3A_168 = tpu.memref_slice %arg4[%add3A_166] : memref<640000xi32, #tpu.memory_space<hbm>> -> memref<128xi32, #tpu.memory_space<hbm>>
          tpu.enqueue_dma source(%dma_start3A_168 : memref<128xi32, #tpu.memory_space<hbm>>) target(%arg10 : memref<128xi32, #tpu.memory_space<vmem>>) target_semaphore(%arg16 : memref<!tpu.dma_semaphore, #tpu.memory_space<semaphore_mem>>)
          %dma_start3A_169 = arith.constant 0 : i32
          %dma_start3A_170 = tpu.memref_slice %arg5[%add3A_164, %dma_start3A_169] : memref<320000x128xf32, #tpu.memory_space<hbm>> -> memref<128x128xf32, #tpu.memory_space<hbm>>
          %dma_start3A_171 = arith.constant 0 : i32
          %dma_start3A_172 = tpu.memref_slice %arg5[%add3A_164, %dma_start3A_171] : memref<320000x128xf32, #tpu.memory_space<hbm>> -> memref<128x128xf32, #tpu.memory_space<hbm>>
          tpu.enqueue_dma source(%dma_start3A_172 : memref<128x128xf32, #tpu.memory_space<hbm>>) target(%arg13 : memref<128x128xf32, #tpu.memory_space<vmem>>) target_semaphore(%arg16 : memref<!tpu.dma_semaphore, #tpu.memory_space<semaphore_mem>>)
        } else {
        }
        %dma_wait3A_119 = arith.constant 0 : i32
        %dma_wait3A_120 = tpu.memref_slice %arg4[%dma_wait3A_119] : memref<640000xi32, #tpu.memory_space<hbm>> -> memref<128xi32, #tpu.memory_space<hbm>>
        %dma_wait3A_121 = arith.constant 0 : i32
        %dma_wait3A_122 = tpu.memref_slice %arg4[%dma_wait3A_121] : memref<640000xi32, #tpu.memory_space<hbm>> -> memref<128xi32, #tpu.memory_space<hbm>>
        tpu.wait_dma2 semaphore(%arg17 : memref<!tpu.dma_semaphore, #tpu.memory_space<semaphore_mem>>) src(%dma_wait3A_122 : memref<128xi32, #tpu.memory_space<hbm>>) dst(%arg11 : memref<128xi32, #tpu.memory_space<vmem>>)
        %dma_wait3A_123 = arith.constant 0 : i32
        %dma_wait3A_124 = arith.constant 0 : i32
        %dma_wait3A_125 = tpu.memref_slice %arg5[%dma_wait3A_123, %dma_wait3A_124] : memref<320000x128xf32, #tpu.memory_space<hbm>> -> memref<128x128xf32, #tpu.memory_space<hbm>>
        %dma_wait3A_126 = arith.constant 0 : i32
        %dma_wait3A_127 = arith.constant 0 : i32
        %dma_wait3A_128 = tpu.memref_slice %arg5[%dma_wait3A_126, %dma_wait3A_127] : memref<320000x128xf32, #tpu.memory_space<hbm>> -> memref<128x128xf32, #tpu.memory_space<hbm>>
        tpu.wait_dma2 semaphore(%arg17 : memref<!tpu.dma_semaphore, #tpu.memory_space<semaphore_mem>>) src(%dma_wait3A_128 : memref<128x128xf32, #tpu.memory_space<hbm>>) dst(%arg14 : memref<128x128xf32, #tpu.memory_space<vmem>>)
        %dma_start3A_129 = arith.constant 0 : i32
        %dma_start3A_130 = arith.constant 0 : i32
        %dma_start3A_131 = tpu.memref_slice %arg9[%dma_start3A_129, %dma_start3A_130] : memref<10000x128xf32, #tpu.memory_space<vmem_shared>> -> memref<10000x128xf32, #tpu.memory_space<vmem_shared>>
        tpu.enqueue_indirect_dma source(%arg14 : memref<128x128xf32, #tpu.memory_space<vmem>>) target(%dma_start3A_131 : memref<10000x128xf32, #tpu.memory_space<vmem_shared>>) offsets(%arg11 : memref<128xi32, #tpu.memory_space<vmem>>) semaphore(%arg20 : memref<!tpu.dma_semaphore, #tpu.memory_space<semaphore_mem>>) {add = true}
        %mul3A_132 = arith.constant 3 : i32
        %mul3A_133 = arith.muli %scan3A_84, %mul3A_132 : i32
        %add3A_134 = arith.constant 2 : i32
        %add3A_135 = arith.addi %mul3A_133, %add3A_134 : i32
        %add3A_136 = arith.constant 2 : i32
        %add3A_137 = arith.addi %add3A_135, %add3A_136 : i32
        %lt3A_138 = arith.constant 156 : i32
        %lt3A_139 = arith.cmpi slt, %add3A_137, %lt3A_138 : i32
        %convert_element_type3A_140 = arith.extui %lt3A_139 : i1 to i32
        %cond3A_141 = arith.constant 0 : i32
        %cond3A_142 = arith.cmpi ne, %convert_element_type3A_140, %cond3A_141 : i32
        scf.if %cond3A_142 {
          %ge3A = arith.constant 1 : i32
          %ge3A_156 = arith.cmpi sge, %add3A_135, %ge3A : i32
          %convert_element_type3A_157 = arith.extui %ge3A_156 : i1 to i32
          %cond3A_158 = arith.constant 0 : i32
          %cond3A_159 = arith.cmpi ne, %convert_element_type3A_157, %cond3A_158 : i32
          scf.if %cond3A_159 {
            %dma_wait3A_173 = arith.constant 0 : i32
            %dma_wait3A_174 = arith.constant 0 : i32
            %dma_wait3A_175 = tpu.memref_slice %arg9[%dma_wait3A_173, %dma_wait3A_174] : memref<10000x128xf32, #tpu.memory_space<vmem_shared>> -> memref<10000x128xf32, #tpu.memory_space<vmem_shared>>
            tpu.wait_indirect_dma semaphore(%arg20 : memref<!tpu.dma_semaphore, #tpu.memory_space<semaphore_mem>>) src(%arg14 : memref<128x128xf32, #tpu.memory_space<vmem>>) dst(%dma_wait3A_175 : memref<10000x128xf32, #tpu.memory_space<vmem_shared>>)
          } else {
          }
          %add3A_160 = arith.constant 2 : i32
          %add3A_161 = arith.addi %add3A_135, %add3A_160 : i32
          %mul3A_162 = arith.constant 128 : i32
          %mul3A_163 = arith.muli %add3A_161, %mul3A_162 : i32
          %add3A_164 = arith.addi %mul3A_2, %mul3A_163 : i32
          %add3A_165 = arith.constant 320000 : i32
          %add3A_166 = arith.addi %add3A_165, %add3A_164 : i32
          %dma_start3A_167 = tpu.memref_slice %arg4[%add3A_166] : memref<640000xi32, #tpu.memory_space<hbm>> -> memref<128xi32, #tpu.memory_space<hbm>>
          %dma_start3A_168 = tpu.memref_slice %arg4[%add3A_166] : memref<640000xi32, #tpu.memory_space<hbm>> -> memref<128xi32, #tpu.memory_space<hbm>>
          tpu.enqueue_dma source(%dma_start3A_168 : memref<128xi32, #tpu.memory_space<hbm>>) target(%arg11 : memref<128xi32, #tpu.memory_space<vmem>>) target_semaphore(%arg17 : memref<!tpu.dma_semaphore, #tpu.memory_space<semaphore_mem>>)
          %dma_start3A_169 = arith.constant 0 : i32
          %dma_start3A_170 = tpu.memref_slice %arg5[%add3A_164, %dma_start3A_169] : memref<320000x128xf32, #tpu.memory_space<hbm>> -> memref<128x128xf32, #tpu.memory_space<hbm>>
          %dma_start3A_171 = arith.constant 0 : i32
          %dma_start3A_172 = tpu.memref_slice %arg5[%add3A_164, %dma_start3A_171] : memref<320000x128xf32, #tpu.memory_space<hbm>> -> memref<128x128xf32, #tpu.memory_space<hbm>>
          tpu.enqueue_dma source(%dma_start3A_172 : memref<128x128xf32, #tpu.memory_space<hbm>>) target(%arg14 : memref<128x128xf32, #tpu.memory_space<vmem>>) target_semaphore(%arg17 : memref<!tpu.dma_semaphore, #tpu.memory_space<semaphore_mem>>)
        } else {
        }
        %dma_wait3A_143 = arith.constant 0 : i32
        %dma_wait3A_144 = tpu.memref_slice %arg4[%dma_wait3A_143] : memref<640000xi32, #tpu.memory_space<hbm>> -> memref<128xi32, #tpu.memory_space<hbm>>
        %dma_wait3A_145 = arith.constant 0 : i32
        %dma_wait3A_146 = tpu.memref_slice %arg4[%dma_wait3A_145] : memref<640000xi32, #tpu.memory_space<hbm>> -> memref<128xi32, #tpu.memory_space<hbm>>
        tpu.wait_dma2 semaphore(%arg18 : memref<!tpu.dma_semaphore, #tpu.memory_space<semaphore_mem>>) src(%dma_wait3A_146 : memref<128xi32, #tpu.memory_space<hbm>>) dst(%arg12 : memref<128xi32, #tpu.memory_space<vmem>>)
        %dma_wait3A_147 = arith.constant 0 : i32
        %dma_wait3A_148 = arith.constant 0 : i32
        %dma_wait3A_149 = tpu.memref_slice %arg5[%dma_wait3A_147, %dma_wait3A_148] : memref<320000x128xf32, #tpu.memory_space<hbm>> -> memref<128x128xf32, #tpu.memory_space<hbm>>
        %dma_wait3A_150 = arith.constant 0 : i32
        %dma_wait3A_151 = arith.constant 0 : i32
        %dma_wait3A_152 = tpu.memref_slice %arg5[%dma_wait3A_150, %dma_wait3A_151] : memref<320000x128xf32, #tpu.memory_space<hbm>> -> memref<128x128xf32, #tpu.memory_space<hbm>>
        tpu.wait_dma2 semaphore(%arg18 : memref<!tpu.dma_semaphore, #tpu.memory_space<semaphore_mem>>) src(%dma_wait3A_152 : memref<128x128xf32, #tpu.memory_space<hbm>>) dst(%arg15 : memref<128x128xf32, #tpu.memory_space<vmem>>)
        %dma_start3A_153 = arith.constant 0 : i32
        %dma_start3A_154 = arith.constant 0 : i32
        %dma_start3A_155 = tpu.memref_slice %arg9[%dma_start3A_153, %dma_start3A_154] : memref<10000x128xf32, #tpu.memory_space<vmem_shared>> -> memref<10000x128xf32, #tpu.memory_space<vmem_shared>>
        tpu.enqueue_indirect_dma source(%arg15 : memref<128x128xf32, #tpu.memory_space<vmem>>) target(%dma_start3A_155 : memref<10000x128xf32, #tpu.memory_space<vmem_shared>>) offsets(%arg12 : memref<128xi32, #tpu.memory_space<vmem>>) semaphore(%arg21 : memref<!tpu.dma_semaphore, #tpu.memory_space<semaphore_mem>>) {add = true}
      }
      %scan3A_68 = arith.constant 52 : i32
      %dma_wait3A_69 = arith.constant 0 : i32
      %dma_wait3A_70 = arith.constant 0 : i32
      %dma_wait3A_71 = tpu.memref_slice %arg9[%dma_wait3A_69, %dma_wait3A_70] : memref<10000x128xf32, #tpu.memory_space<vmem_shared>> -> memref<10000x128xf32, #tpu.memory_space<vmem_shared>>
      tpu.wait_indirect_dma semaphore(%arg19 : memref<!tpu.dma_semaphore, #tpu.memory_space<semaphore_mem>>) src(%arg13 : memref<128x128xf32, #tpu.memory_space<vmem>>) dst(%dma_wait3A_71 : memref<10000x128xf32, #tpu.memory_space<vmem_shared>>)
      %dma_wait3A_72 = arith.constant 0 : i32
      %dma_wait3A_73 = arith.constant 0 : i32
      %dma_wait3A_74 = tpu.memref_slice %arg9[%dma_wait3A_72, %dma_wait3A_73] : memref<10000x128xf32, #tpu.memory_space<vmem_shared>> -> memref<10000x128xf32, #tpu.memory_space<vmem_shared>>
      tpu.wait_indirect_dma semaphore(%arg20 : memref<!tpu.dma_semaphore, #tpu.memory_space<semaphore_mem>>) src(%arg14 : memref<128x128xf32, #tpu.memory_space<vmem>>) dst(%dma_wait3A_74 : memref<10000x128xf32, #tpu.memory_space<vmem_shared>>)
      %dma_wait3A_75 = arith.constant 0 : i32
      %dma_wait3A_76 = arith.constant 0 : i32
      %dma_wait3A_77 = tpu.memref_slice %arg9[%dma_wait3A_75, %dma_wait3A_76] : memref<10000x128xf32, #tpu.memory_space<vmem_shared>> -> memref<10000x128xf32, #tpu.memory_space<vmem_shared>>
      tpu.wait_indirect_dma semaphore(%arg21 : memref<!tpu.dma_semaphore, #tpu.memory_space<semaphore_mem>>) src(%arg15 : memref<128x128xf32, #tpu.memory_space<vmem>>) dst(%dma_wait3A_77 : memref<10000x128xf32, #tpu.memory_space<vmem_shared>>)
      %barrier3A_78 = arith.constant 0 : index
      tpu.barrier barrier_id(%barrier3A_78)
      "tpu.region"() ({
        %run_scoped3A = tpu.sem_alloc : memref<!tpu.dma_semaphore, #tpu.memory_space<semaphore_mem>>
        %dma_start3A_84 = arith.constant 0 : i32
        %dma_start3A_85 = tpu.memref_slice %arg8[%mul3A_0, %dma_start3A_84] : memref<10000x128xf32, #tpu.memory_space<hbm>> -> memref<624x128xf32, #tpu.memory_space<hbm>>
        %dma_start3A_86 = arith.constant 0 : i32
        %dma_start3A_87 = tpu.memref_slice %arg9[%mul3A_0, %dma_start3A_86] : memref<10000x128xf32, #tpu.memory_space<vmem_shared>> -> memref<624x128xf32, #tpu.memory_space<vmem_shared>>
        tpu.enqueue_dma source(%dma_start3A_87 : memref<624x128xf32, #tpu.memory_space<vmem_shared>>) target(%dma_start3A_85 : memref<624x128xf32, #tpu.memory_space<hbm>>) target_semaphore(%run_scoped3A : memref<!tpu.dma_semaphore, #tpu.memory_space<semaphore_mem>>)
        %dma_wait3A_88 = arith.constant 0 : i32
        %dma_wait3A_89 = tpu.memref_slice %arg8[%mul3A_0, %dma_wait3A_88] : memref<10000x128xf32, #tpu.memory_space<hbm>> -> memref<624x128xf32, #tpu.memory_space<hbm>>
        %dma_wait3A_90 = arith.constant 0 : i32
        %dma_wait3A_91 = tpu.memref_slice %arg9[%mul3A_0, %dma_wait3A_90] : memref<10000x128xf32, #tpu.memory_space<vmem_shared>> -> memref<624x128xf32, #tpu.memory_space<vmem_shared>>
        tpu.wait_dma2 semaphore(%run_scoped3A : memref<!tpu.dma_semaphore, #tpu.memory_space<semaphore_mem>>) src(%dma_wait3A_91 : memref<624x128xf32, #tpu.memory_space<vmem_shared>>) dst(%dma_wait3A_89 : memref<624x128xf32, #tpu.memory_space<hbm>>)
        tpu.yield
      }) : () -> ()
      %eq3A_79 = arith.constant 0 : i32
      %eq3A_80 = arith.cmpi eq, %arg1, %eq3A_79 : i32
      %convert_element_type3A_81 = arith.extui %eq3A_80 : i1 to i32
      %cond3A_82 = arith.constant 0 : i32
      %cond3A_83 = arith.cmpi ne, %convert_element_type3A_81, %cond3A_82 : i32
      scf.if %cond3A_83 {
        "tpu.region"() ({
          %run_scoped3A = tpu.sem_alloc : memref<!tpu.dma_semaphore, #tpu.memory_space<semaphore_mem>>
          %dma_start3A_84 = arith.constant 9984 : i32
          %dma_start3A_85 = arith.constant 0 : i32
          %dma_start3A_86 = tpu.memref_slice %arg8[%dma_start3A_84, %dma_start3A_85] : memref<10000x128xf32, #tpu.memory_space<hbm>> -> memref<16x128xf32, #tpu.memory_space<hbm>>
          %dma_start3A_87 = arith.constant 9984 : i32
          %dma_start3A_88 = arith.constant 0 : i32
          %dma_start3A_89 = tpu.memref_slice %arg9[%dma_start3A_87, %dma_start3A_88] : memref<10000x128xf32, #tpu.memory_space<vmem_shared>> -> memref<16x128xf32, #tpu.memory_space<vmem_shared>>
          tpu.enqueue_dma source(%dma_start3A_89 : memref<16x128xf32, #tpu.memory_space<vmem_shared>>) target(%dma_start3A_86 : memref<16x128xf32, #tpu.memory_space<hbm>>) target_semaphore(%run_scoped3A : memref<!tpu.dma_semaphore, #tpu.memory_space<semaphore_mem>>)
          %dma_wait3A_90 = arith.constant 9984 : i32
          %dma_wait3A_91 = arith.constant 0 : i32
          %dma_wait3A_92 = tpu.memref_slice %arg8[%dma_wait3A_90, %dma_wait3A_91] : memref<10000x128xf32, #tpu.memory_space<hbm>> -> memref<16x128xf32, #tpu.memory_space<hbm>>
          %dma_wait3A_93 = arith.constant 9984 : i32
          %dma_wait3A_94 = arith.constant 0 : i32
          %dma_wait3A_95 = tpu.memref_slice %arg9[%dma_wait3A_93, %dma_wait3A_94] : memref<10000x128xf32, #tpu.memory_space<vmem_shared>> -> memref<16x128xf32, #tpu.memory_space<vmem_shared>>
          tpu.wait_dma2 semaphore(%run_scoped3A : memref<!tpu.dma_semaphore, #tpu.memory_space<semaphore_mem>>) src(%dma_wait3A_95 : memref<16x128xf32, #tpu.memory_space<vmem_shared>>) dst(%dma_wait3A_92 : memref<16x128xf32, #tpu.memory_space<hbm>>)
          tpu.yield
        }) : () -> ()
      } else {
      }
    } else {
    }
    return
  }
}

module attributes {stable_mosaic.version = 14 : i64} {
  func.func @_mm_body(%arg0: i32, %arg1: memref<2000x128xf32, #tpu.memory_space<vmem>>, %arg2: memref<2000x128xf32, #tpu.memory_space<vmem>>, %arg3: memref<2000x128xf32, #tpu.memory_space<vmem>>, %arg4: memref<128x128xf32, #tpu.memory_space<vmem>>, %arg5: memref<128x128xf32, #tpu.memory_space<vmem>>, %arg6: memref<128x128xf32, #tpu.memory_space<vmem>>, %arg7: memref<1x128xf32, #tpu.memory_space<vmem>>, %arg8: memref<2000x128xf32, #tpu.memory_space<vmem>>) attributes {dimension_semantics = [#tpu.dimension_semantics<arbitrary>], iteration_bounds = array<i64: 5>, scalar_prefetch = 0 : i64, scratch_operands = 0 : i64, tpu.core_type = #tpu.core_type<tc>, window_params = [{transform_indices = @transform_0, window_bounds = array<i64: 2000, 128>}, {transform_indices = @transform_1, window_bounds = array<i64: 2000, 128>}, {transform_indices = @transform_2, window_bounds = array<i64: 2000, 128>}, {pipeline_mode = #tpu.pipeline_mode<synchronous>, transform_indices = @transform_3, window_bounds = array<i64: 128, 128>}, {pipeline_mode = #tpu.pipeline_mode<synchronous>, transform_indices = @transform_4, window_bounds = array<i64: 128, 128>}, {pipeline_mode = #tpu.pipeline_mode<synchronous>, transform_indices = @transform_5, window_bounds = array<i64: 128, 128>}, {pipeline_mode = #tpu.pipeline_mode<synchronous>, transform_indices = @transform_6, window_bounds = array<i64: 1, 128>}, {transform_indices = @transform_7, window_bounds = array<i64: 2000, 128>}]} {
    %get3A = arith.constant 0 : index
    %get3A_0 = arith.constant 0 : index
    %get3A_1 = vector.load %arg1[%get3A, %get3A_0] : memref<2000x128xf32, #tpu.memory_space<vmem>>, vector<2000x128xf32>
    %get3A_2 = arith.constant 0 : index
    %get3A_3 = arith.constant 0 : index
    %get3A_4 = vector.load %arg4[%get3A_2, %get3A_3] : memref<128x128xf32, #tpu.memory_space<vmem>>, vector<128x128xf32>
    %dot_general3A = arith.constant dense<0.000000e+00> : vector<2000x128xf32>
    %dot_general3A_5 = tpu.matmul %get3A_1, %get3A_4, %dot_general3A {dimension_numbers = #tpu.dot_dimension_numbers<[1], [0], [0], [1], [0, 0, 1, 1], [], []>, transpose_lhs_hint = false} : vector<2000x128xf32>, vector<128x128xf32>, vector<2000x128xf32> -> vector<2000x128xf32>
    %get3A_6 = arith.constant 0 : index
    %get3A_7 = arith.constant 0 : index
    %get3A_8 = vector.load %arg2[%get3A_6, %get3A_7] : memref<2000x128xf32, #tpu.memory_space<vmem>>, vector<2000x128xf32>
    %get3A_9 = arith.constant 0 : index
    %get3A_10 = arith.constant 0 : index
    %get3A_11 = vector.load %arg5[%get3A_9, %get3A_10] : memref<128x128xf32, #tpu.memory_space<vmem>>, vector<128x128xf32>
    %dot_general3A_12 = arith.constant dense<0.000000e+00> : vector<2000x128xf32>
    %dot_general3A_13 = tpu.matmul %get3A_8, %get3A_11, %dot_general3A_12 {dimension_numbers = #tpu.dot_dimension_numbers<[1], [0], [0], [1], [0, 0, 1, 1], [], []>, transpose_lhs_hint = false} : vector<2000x128xf32>, vector<128x128xf32>, vector<2000x128xf32> -> vector<2000x128xf32>
    %add3A = arith.addf %dot_general3A_5, %dot_general3A_13 : vector<2000x128xf32>
    %get3A_14 = arith.constant 0 : index
    %get3A_15 = arith.constant 0 : index
    %get3A_16 = vector.load %arg3[%get3A_14, %get3A_15] : memref<2000x128xf32, #tpu.memory_space<vmem>>, vector<2000x128xf32>
    %get3A_17 = arith.constant 0 : index
    %get3A_18 = arith.constant 0 : index
    %get3A_19 = vector.load %arg6[%get3A_17, %get3A_18] : memref<128x128xf32, #tpu.memory_space<vmem>>, vector<128x128xf32>
    %dot_general3A_20 = arith.constant dense<0.000000e+00> : vector<2000x128xf32>
    %dot_general3A_21 = tpu.matmul %get3A_16, %get3A_19, %dot_general3A_20 {dimension_numbers = #tpu.dot_dimension_numbers<[1], [0], [0], [1], [0, 0, 1, 1], [], []>, transpose_lhs_hint = false} : vector<2000x128xf32>, vector<128x128xf32>, vector<2000x128xf32> -> vector<2000x128xf32>
    %add3A_22 = arith.addf %add3A, %dot_general3A_21 : vector<2000x128xf32>
    %get3A_23 = arith.constant 0 : index
    %get3A_24 = arith.constant 0 : index
    %get3A_25 = vector.load %arg7[%get3A_23, %get3A_24] : memref<1x128xf32, #tpu.memory_space<vmem>>, vector<1x128xf32>
    %add3A_26 = vector.broadcast %get3A_25 : vector<1x128xf32> to vector<2000x128xf32>
    %add3A_27 = arith.addf %add3A_22, %add3A_26 : vector<2000x128xf32>
    %swap3A = arith.constant 0 : index
    %swap3A_28 = arith.constant 0 : index
    %swap3A_29 = vector.load %arg8[%swap3A, %swap3A_28] : memref<2000x128xf32, #tpu.memory_space<vmem>>, vector<2000x128xf32>
    tpu.vector_store %arg8[%swap3A, %swap3A_28], %add3A_27 {strides = array<i32>} : memref<2000x128xf32, #tpu.memory_space<vmem>>, vector<2000x128xf32>,
    return
  }
  func.func @transform_0(%arg0: i32) -> (i32, i32) {
    %c0_i32 = arith.constant 0 : i32
    %c0_i32_0 = arith.constant 0 : i32
    return %arg0, %c0_i32 : i32, i32
  }
  func.func @transform_1(%arg0: i32) -> (i32, i32) {
    %c0_i32 = arith.constant 0 : i32
    %c0_i32_0 = arith.constant 0 : i32
    return %arg0, %c0_i32 : i32, i32
  }
  func.func @transform_2(%arg0: i32) -> (i32, i32) {
    %c0_i32 = arith.constant 0 : i32
    %c0_i32_0 = arith.constant 0 : i32
    return %arg0, %c0_i32 : i32, i32
  }
  func.func @transform_3(%arg0: i32) -> (i32, i32) {
    %c0_i32 = arith.constant 0 : i32
    %c0_i32_0 = arith.constant 0 : i32
    %c0_i32_1 = arith.constant 0 : i32
    return %c0_i32, %c0_i32_0 : i32, i32
  }
  func.func @transform_4(%arg0: i32) -> (i32, i32) {
    %c0_i32 = arith.constant 0 : i32
    %c0_i32_0 = arith.constant 0 : i32
    %c0_i32_1 = arith.constant 0 : i32
    return %c0_i32, %c0_i32_0 : i32, i32
  }
  func.func @transform_5(%arg0: i32) -> (i32, i32) {
    %c0_i32 = arith.constant 0 : i32
    %c0_i32_0 = arith.constant 0 : i32
    %c0_i32_1 = arith.constant 0 : i32
    return %c0_i32, %c0_i32_0 : i32, i32
  }
  func.func @transform_6(%arg0: i32) -> (i32, i32) {
    %c0_i32 = arith.constant 0 : i32
    %c0_i32_0 = arith.constant 0 : i32
    %c0_i32_1 = arith.constant 0 : i32
    return %c0_i32, %c0_i32_0 : i32, i32
  }
  func.func @transform_7(%arg0: i32) -> (i32, i32) {
    %c0_i32 = arith.constant 0 : i32
    %c0_i32_0 = arith.constant 0 : i32
    return %arg0, %c0_i32 : i32, i32
  }
}

</mosaic_0001>

<sc_bundles>
// kernel: kernel.4.cloned.1.call-start
scs
__scs_entry_jumppad:
0x0: {  	(pc) =	sbr.rel $0x88, $3  }
0x1: {  	(tag) =	ssettag $0x0;
	lr =	simm.s32 $0x1  }
0x2: {  	[smem:$0x3F9A] =	sst lr;
	_ =	strace $0xD0000000  }
0x3: {  	_ = 	snop  }
0x4: {  	_ = 	snop  }
0x5: {  	_ = 	snop  }
0x6: {  	_ = 	snop  }
0x7: {  	_ = 	snop  }
__scs_overlays_trampoline_lowered:
0x8: {  	[smem:$0x3FA9] =	sst s0  }
0x9: {  	[smem:$0x3FAA] =	sst s1  }
0xa: {  	[smem:$0x3FAB] =	sst s2  }
0xb: {  	[smem:$0x3FAC] =	sst s3  }
0xc: {  	[smem:$0x3FAD] =	sst s4  }
0xd: {  	[smem:$0x3FAE] =	sst s5  }
0xe: {  	[smem:$0x3FAF] =	sst s6  }
0xf: {  	[smem:$0x3FB0] =	sst s7  }
0x10: {  	[smem:$0x3FB1] =	sst s8  }
0x11: {  	[smem:$0x3FB2] =	sst s9;
	s0 =	simm.s32 @!p0 $0x0  }
0x12: {  	s1 =	sld [smem:$0x3F98];
	s0 =	simm.s32 @p0 $0x1  }
0x13: {  	[smem:$0x3FB3] =	sst s0;
	s0 =	simm.s32 @!p1 $0x0  }
0x14: {  	s2 =	sld [smem:$0x3F97];
	s0 =	simm.s32 @p1 $0x1  }
0x15: {  	[smem:$0x3FB4] =	sst s0;
	s0 =	simm.s32 @!p2 $0x0  }
0x16: {  	s3 =	sld [smem:$0x3FDB];
	s0 =	simm.s32 @p2 $0x1  }
0x17: {  	s4 =	simm.s32 $0x1BF5;
	[smem:$0x3FB6] =	sst s0  }
0x18: {  	s0 =	sld [smem:$0x3F99];
	_ =	swait.ge [sflag:s4], $0x0  }
0x19: {  	s7 =	sld [smem:$0x3F9A]  }
0x1a: {  	s8 =	sadd.s32 $0xFFFFE003, lr  }
0x1b: {  	s9 =	sadd.s32 $0xFFFFFEF7, lr;
	s5 =	simm.s32 $0xFFFFFFFF;
	p2 =	slt.u32 s8, $0xFFFFF086  }
0x1c: {  	p1 =	slt.u32 s9, $0xF7A;
	s5 =	simm.s32 @!p2 $0x0  }
0x1d: {  	s5 =	simm.s32 @p1 $0x1;
	p0 =	seq.s32 s7, s2  }
0x1e: {  	s7 =	smul.u32 @!p0 $0xF7A, s2;
	p2 =	seq.s32 @!p0 s5, $0x0  }
0x1f: {  	s9 =	smul.u32 $0xF7A, s1;
	s8 =	simm.s32 @!p0 $0x1BF5;
	p2 =	por !p2, p0  }
0x20: {  	[sflag:s8] =	ssyncset.s32 @!p0 $0xFFFFF086;
	s6 =	sadd.s32 @!p0 s3, s7;
	s7 =	simm.s32 @!p0 $0x108  }
0x21: {  	s3 =	sadd.s32 s3, s9;
	s6 =	sadd.s32 @!p0 $0x88, s6;
	s7 =	simm.s32 @p2 $0x1082  }
0x22: {  	[simem:s7], [sflag:s8] =	dma.local @!p0 [hbm:s6], $0xF7A  }
0x23: {  	s9 =	sor.u32 $0xD0000000, s2;
	s6 =	simm.s32 $0x108;
	_ =	swait.ge @!p0 [sflag:s8], $0x0  }
0x24: {  	s3 =	sadd.s32 $0x88, s3;
	s6 =	simm.s32 @!p1 $0x1082;
	[sflag:s4] =	ssyncset.s32 $0xFFFFF086  }
0x25: {  	[simem:s6], [sflag:s4] =	dma.local [hbm:s3], $0xF7A  }
0x26: {  	[smem:$0x3F9A] =	sst s1;
	(tag) =	ssettag s2;
	_ =	strace s9  }
0x27: {  	s1 =	sld [smem:$0x3FAA]  }
0x28: {  	s2 =	sld [smem:$0x3FAB]  }
0x29: {  	s4 =	sld [smem:$0x3FAD]  }
0x2a: {  	p0 =	seq.s32 s5, $0x0;
	s5 =	sld [smem:$0x3FAE]  }
0x2b: {  	s6 =	sld [smem:$0x3FAF]  }
0x2c: {  	s7 =	sld [smem:$0x3FB0]  }
0x2d: {  	s3 =	simm.s32 $0x108;
	s8 =	sld [smem:$0x3FB1]  }
0x2e: {  	s3 =	simm.s32 @!p0 $0x1082;
	s9 =	sld [smem:$0x3FB2]  }
0x2f: {  	lr =	sadd.s32 s0, s3;
	s0 =	sld [smem:$0x3FA9]  }
0x30: {  	s3 =	sld [smem:$0x3FAC]  }
0x31: {  	[smem:$0x3FB5] =	sst s10  }
0x32: {  	s10 =	sld [smem:$0x3FB3];
	_ =	sdelay $0x3  }
0x33: {  	p0 =	seq.s32 s10, $0x1;
	s10 =	sld [smem:$0x3FB5];
	_ =	sdelay $0x3  }
0x34: {  	[smem:$0x3FB5] =	sst s10  }
0x35: {  	s10 =	sld [smem:$0x3FB4];
	_ =	sdelay $0x3  }
0x36: {  	p1 =	seq.s32 s10, $0x1;
	s10 =	sld [smem:$0x3FB5];
	_ =	sdelay $0x3  }
0x37: {  	[smem:$0x3FB5] =	sst s10  }
0x38: {  	s10 =	sld [smem:$0x3FB6]  }
0x39: {  	_ = 	snop;
	(pc) =	sbr.ind lr, $3  }
0x3a: {  	_ = 	snop  }
0x3b: {  	_ = 	snop  }
0x3c: {  	p2 =	seq.s32 s10, $0x1;
	s10 =	sld [smem:$0x3FB5]  }
0x3d: {  	_ =	shalt  }
0x3e: {  	_ =	shalt  }
0x3f: {  	_ =	shalt  }
0x40: {  	_ =	shalt  }
0x41: {  	_ =	shalt  }
0x42: {  	_ =	shalt  }
0x43: {  	_ =	shalt  }
0x44: {  	_ =	shalt  }
0x45: {  	_ =	shalt  }
0x46: {  	_ =	shalt  }
0x47: {  	_ =	shalt  }
0x48: {  	_ =	shalt  }
0x49: {  	_ =	shalt  }
0x4a: {  	_ =	shalt  }
0x4b: {  	_ =	shalt  }
0x4c: {  	_ =	shalt  }
0x4d: {  	_ =	shalt  }
0x4e: {  	_ =	shalt  }
0x4f: {  	_ =	shalt  }
0x50: {  	_ =	shalt  }
0x51: {  	_ =	shalt  }
0x52: {  	_ =	shalt  }
0x53: {  	_ =	shalt  }
0x54: {  	_ =	shalt  }
0x55: {  	_ =	shalt  }
0x56: {  	_ =	shalt  }
0x57: {  	_ =	shalt  }
0x58: {  	_ =	shalt  }
0x59: {  	_ =	shalt  }
0x5a: {  	_ =	shalt  }
0x5b: {  	_ =	shalt  }
0x5c: {  	_ =	shalt  }
0x5d: {  	_ =	shalt  }
0x5e: {  	_ =	shalt  }
0x5f: {  	_ =	shalt  }
0x60: {  	_ =	shalt  }
0x61: {  	_ =	shalt  }
0x62: {  	_ =	shalt  }
0x63: {  	_ =	shalt  }
0x64: {  	_ =	shalt  }
0x65: {  	_ =	shalt  }
0x66: {  	_ =	shalt  }
0x67: {  	_ =	shalt  }
0x68: {  	_ =	shalt  }
0x69: {  	_ =	shalt  }
0x6a: {  	_ =	shalt  }
0x6b: {  	_ =	shalt  }
0x6c: {  	_ =	shalt  }
0x6d: {  	_ =	shalt  }
0x6e: {  	_ =	shalt  }
0x6f: {  	_ =	shalt  }
0x70: {  	_ =	shalt  }
0x71: {  	_ =	shalt  }
0x72: {  	_ =	shalt  }
0x73: {  	_ =	shalt  }
0x74: {  	_ =	shalt  }
0x75: {  	_ =	shalt  }
0x76: {  	_ =	shalt  }
0x77: {  	_ =	shalt  }
0x78: {  	_ =	shalt  }
0x79: {  	_ =	shalt  }
0x7a: {  	_ =	shalt  }
0x7b: {  	_ =	shalt  }
0x7c: {  	_ =	shalt  }
0x7d: {  	_ =	shalt  }
0x7e: {  	_ =	shalt  }
0x7f: {  	_ =	shalt  }
0x80: {  	_ =	shalt  }
0x81: {  	_ =	shalt  }
0x82: {  	_ =	shalt  }
0x83: {  	_ =	shalt  }
0x84: {  	_ =	shalt  }
0x85: {  	_ =	shalt  }
0x86: {  	_ =	shalt  }
0x87: {  	_ =	shalt  }
.Lfunc_end0:
.L_simem_size_0:
called_computation_lowered:
.L_overlay_start_0:
0x88: {  	s2 =	sld [smem:$0x3FD9]  }
0x89: {  	s3 =	sld [smem:$0x3FFE];
	_ =	sdelay $0x1  }
0x8a: {  	s1 =	srdreg.scid  }
0x8b: {  	s0 =	sand.u32 $0x1, s1  }
0x8c: {  	s17 =	sshll.u32 s0, $0xA;
	s2 =	sadd.s32 s3, s2  }
0x8d: {  	s2 =	sadd.s32 s2, s17  }
0x8e: {  	[smem:$0x3FC1] =	sst s2  }
0x8f: {  	_ = 	snop  }
0x90: {  	s2 =	sld [smem:$0x3FC7]  }
0x91: {  	s18 =	sld [smem:$0x3FC5]  }
0x92: {  	s4 =	sld [smem:$0x3FD0];
	(tm) =	ssettm $0x1  }
0x93: {  	s5 =	sld [smem:$0x3FFB];
	_ =	sdelay $0x3  }
0x94: {  	_ =	strace s5  }
0x95: {  	s5 =	sld [smem:$0x3FFC];
	_ =	sdelay $0x3  }
0x96: {  	_ =	strace s5  }
0x97: {  	s5 =	sld [smem:$0x3FFD];
	_ =	sdelay $0x3  }
0x98: {  	_ =	strace s5  }
0x99: {  	_ =	strace $0x8FFFFFFF  }
0x9a: {  	s19 =	sld [smem:$0x3FDB];
	_ =	sdelay $0x1  }
0x9b: {  	s6 =	simm.s32 $_scs_section_size  }
0x9c: {  	s7 =	simm.s32 $_size__tile_overlayer_lowered;
	s8 =	simm.s32 $_tile_overlayer_lowered  }
0x9d: {  	s22 =	simm.s32 $0x1BFF;
	s21 =	sshll.u32 s8, $0x1;
	s5 =	sadd.s32 s6, s19  }
0x9e: {  	s9 =	simm.s32 $0x0;
	s20 =	sshll.u32 s7, $0x1;
	s7 =	sadd.s32 s21, s5  }
0x9f: {  	[timem:s9], [sflag:s22] =	dma.local [hbm:s7], s20  }
0xa0: {  	_ =	swait.ge [sflag:s22], s20  }
0xa1: {  	s6 =	ssub.s32 $0x0, s20;
	[sflag:s22] =	ssyncset.done $0x0  }
0xa2: {  	[sflag:s22] =	ssyncadd.s32 s6;
	_ =	sdelay $0x1  }
0xa3: {  	s23 =	simm.s32 $0x1B8B  }
0xa4: {  	_ =	swait.ge [sflag:s23], $0x1  }
0xa5: {  	[sflag:s23] =	ssyncset.done $0x0  }
0xa6: {  	s25 =	simm.s32 $0x1B8E;
	s24 =	sld [smem:$0x3FFE];
	[sflag:s23] =	ssyncadd.s32 $0xFFFFFFFF  }
0xa7: {  	s26 =	simm.s32 $execute0_lowered;
	[smem:$0x3FD2] =	sst s25  }
0xa8: {  	s7 =	sshll.u32 s26, $0x1;
	_ =	strace $0x80000046;
	[dreg:$0x1] =	wrdreg $0xFFFFFFFF  }
0xa9: {  	s28 =	simm.s32 $_size_execute0_lowered;
	s5 =	sadd.s32 s5, s7;
	[dreg:$0x0] =	wrdreg $0x0  }
0xaa: {  	s7 =	sshll.u32 s28, $0x1;
	[dreg:$0x2] =	wrdreg s5  }
0xab: {  	[dreg:$0x3] =	wrdreg s7  }
0xac: {  	[dreg:$0x4] =	wrdreg $0xC0  }
0xad: {  	_ =	task [dreg:s9], $0x5FFFF  }
0xae: {  	[dreg:$0x1] =	wrdreg $0xFFFFFFFF  }
0xaf: {  	[dreg:$0x0] =	wrdreg $0x60  }
0xb0: {  	[dreg:$0x2] =	wrdreg s24  }
0xb1: {  	[dreg:$0x3] =	wrdreg s2  }
0xb2: {  	[dreg:$0x4] =	wrdreg s18  }
0xb3: {  	[dreg:$0x5] =	wrdreg s4  }
0xb4: {  	[dreg:$0x6] =	wrdreg $0x0  }
0xb5: {  	[dreg:$0x7] =	wrdreg $0x9  }
0xb6: {  	_ =	task.clear_ibuf [dreg:s9], $0x8FFFF;
	_ =	strace $0x90000046  }
0xb7: {  	s29 =	simm.s32 $0x9;
	_ =	strace $0x80000048  }
0xb8: {  	_ =	swait.ge [sflag:s29], $0x1  }
0xb9: {  	[sflag:s29] =	ssyncadd.s32 $0xFFFFFFFF  }
0xba: {  	_ =	strace $0x90000048  }
0xbb: {  	_ =	sfence  }
0xbc: {  	s30 =	sld [smem:$0x0];
	_ =	sdelay $0x2  }
0xbd: {  	s31 =	sshll.u32 s1, $0xD;
	s1 =	sshrl.u32 s1, $0x2  }
0xbe: {  	s3 =	sand.u32 $0x4000, s31;
	s1 =	sadd.s32 s1, s30  }
0xbf: {  	s0 =	sor.u32 s3, s0;
	s1 =	sshll.u32 s1, $0x11  }
0xc0: {  	s0 =	sor.u32 s1, s0  }
0xc1: {  	s0 =	sadd.s32 $0x8F2B, s0  }
0xc2: {  	[sflag:s0] =	ssyncadd.remote.s32 $0x1  }
0xc3: {  	_ =	sfence.sel $0xFFFF  }
0xc4: {  	[dreg:$0x0] =	wrdreg $0xFFFFFFFF;
	(pc) =	sbr.abs _section_cstart, $3  }
0xc5: {  	[dreg:$0x1] =	wrdreg $0xFFFFFFFF  }
0xc6: {  	_ =	task.clear_ibuf [dreg:s9], $0x2FFFF;
	_ =	strace $0x9FFFFFFF  }
0xc7: {  	(tm) =	ssettm $0x7FFFFFFF  }
tec
execute0_lowered:
.L_overlay_start_1:
0x0: {  	(tag) =	ssettag $0x1  }
0x1: {  	s0 =	rddreg [dreg:$0x0]  }
0x2: {  	s1 =	rddreg [dreg:$0x1]  }
0x3: {  	s6 =	rddreg [dreg:$0x2]  }
0x4: {  	s4 =	rddreg [dreg:$0x3]  }
0x5: {  	s2 =	rddreg [dreg:$0x4]  }
0x6: {  	s3 =	simm.s32 $0x0;
	s5 =	stileid.u32;
	s8 =	srdreg.scid  }
0x7: {  	s28 =	simm.s32 $0x13880;
	s29 =	simm.s32 $0x13A00;
	s30 =	simm.s32 $0x80  }
0x8: {  	s31 =	simm.s32 $0x4;
	[smem:$0x7FF] =	sst s3;
	s10 =	smul.u32 $0x4E20, s5  }
0x9: {  	s7 =	sadd.s32 $0x1600, s0;
	s9 =	sadd.s32 $0x15000, s0;
	s12 =	smul.u32 $0x4E200, s5  }
0xa: {  	s11 =	sadd.s32 $0x28A00, s0;
	s20 =	sadd.s32 $0x2B200, s0;
	s14 =	smul.u32 $0x271000, s5  }
0xb: {  	s8 =	sand.u32 $0x1, s8;
	s25 =	smul.u32 $0x4E000, s5;
	s0 =	sadd.s32 $0x2B100, s0  }
0xc: {  	p1 =	sne.s32 s5, $0x0;
	_ =	strace $0x80000047;
	[dreg:$0x6] =	wrdreg s11  }
0xd: {  	p2 =	seq.s32 s5, $0x0;
	s21 =	ssub.s32 $0x2, s8;
	[dreg:$0xe] =	wrdreg s0  }
0xe: {  	p0 =	seq.s32 s8, $0x1;
	[dreg:$0x7] =	wrdreg s20;
	s10 =	sshrl.u32 s10, $0x3  }
0xf: {  	s13 =	sshrl.u32 s21, $0x1;
	s8 =	sadd.s32 s1, s12;
	s16 =	sadd.s32 $0x9C40, s10  }
0x10: {  	s23 =	sshrl.u32 s14, $0x3;
	s17 =	sadd.s32 $0x9C50, s10;
	s22 =	sadd.s32 s7, s16  }
0x11: {  	s18 =	sadd.s32 $0x800, s23;
	s24 =	sadd.s32 s7, s17;
	[dreg:$0x8] =	wrdreg s22  }
0x12: {  	s10 =	sadd.s32 $0xA600, s10;
	s15 =	sadd.s32 s1, s18;
	[dreg:$0x9] =	wrdreg s24  }
0x13: {  	s19 =	sadd.s32 $0x4E000, s23;
	s26 =	sadd.s32 s7, s10;
	[dreg:$0xa] =	wrdreg s15  }
0x14: {  	s11 =	ssub.s32 s21, s13;
	s1 =	sadd.s32 s1, s19;
	[dreg:$0xb] =	wrdreg s26  }
0x15: {  	s21 =	smul.u32 $0x9C4, s5;
	s18 =	sadd.s32 s6, s18;
	[dreg:$0xc] =	wrdreg s1  }
0x16: {  	s19 =	sadd.s32 s6, s19;
	s23 =	sadd.s32 s9, s16;
	[dreg:$0xf] =	wrdreg s18  }
0x17: {  	s16 =	simm.s32 $0x5;
	s15 =	sshrl.u32 s25, $0x2;
	[dreg:$0x10] =	wrdreg s19  }
0x18: {  	s22 =	smul.u32 $0x2700, s5;
	[dreg:$0x11] =	wrdreg s23;
	s24 =	sadd.s32 s9, s17  }
0x19: {  	s25 =	sadd.s32 s9, s10;
	s26 =	sadd.s32 s21, s7;
	s0 =	sadd.s32 s21, s9  }
0x1a: {  	s23 =	smax.u32 s11, $0x1;
	s7 =	simm.s32 $0x7;
	s9 =	simm.s32 $0x3  }
0x1b: {  	s11 =	simm.s32 $0x13980;
	s17 =	simm.s32 $0x6;
	s18 =	simm.s32 $0x0  }
.Ltmp0:
0x1c: {  	s1 =	sadd.s32 s15, s2;
	[dreg:$0x12] =	wrdreg s24;
	(pc) =	sbr.rel .LBB2_1-.Ltmp0, $4  }
0x1d: {  	s15 =	sadd.s32 s6, s12;
	[dreg:$0x13] =	wrdreg s25;
	s24 =	sadd.s32 $0x9C80, s26  }
0x1e: {  	s25 =	sadd.s32 $0x9C80, s0;
	[dreg:$0xd] =	wrdreg s1;
	s4 =	sadd.s32 s4, s22  }
0x1f: {  	s26 =	sadd.s32 $0x138000, s2;
	s1 =	sadd.s32 s20, s22;
	[dreg:$0x14] =	wrdreg s4  }
0x20: {  	s12 =	simm.s32 $0x1;
	[dreg:$0x15] =	wrdreg s1;
	s1 =	simm.s32 $0x1BA00  }
.LBB2_8:
0x21: {  	s0 =	sadd.s32 $0x27000, s6;
	s4 =	sshrl.u32 s26, $0x3  }
0x22: {  	[hbm:s0], [sflag:s10] =	dma.local [spmem:s4], $0x100  }
0x23: {  	_ =	swait.ge [sflag:s7], $0x100  }
0x24: {  	[sflag:s7] =	ssyncset.done $0x0  }
0x25: {  	[sflag:s7] =	ssyncadd.s32 $0xFFFFFF00  }
.LBB2_9:
0x26: {  	s18 =	sadd.s32 $0x1, s18  }
0x27: {  	p3 =	sne.s32 s18, s23  }
.Ltmp1:
0x28: {  	_ = 	snop;
	(pc) =	sbr.rel @!p3 .LBB2_10-.Ltmp1, $1  }
0x29: {  	_ =	sdelay $0x3  }
.LBB2_1:
.Ltmp2:
0x2a: {  	(pc) =	sbr.rel @!p0 .LBB2_2-.Ltmp2, $2  }
0x2b: {  	_ =	sdelay $0x2  }
0x2c: {  	s20 =	sshrl.u32 @!p1 s26, $0x3  }
0x2d: {  	s0 =	rddreg [dreg:$0x11]  }
0x2e: {  	s10 =	rddreg [dreg:$0x12]  }
0x2f: {  	[tilespmem:s28], [sflag:$0x1] =	stream.linear.gather [hbm4b:s0+s3], $0x80, $0x38;
	[tilespmem:$0x1FA80] =	vst v63  }
0x30: {  	s13 =	rddreg [dreg:$0xf]  }
0x31: {  	[tilespmem:s29], [sflag:$0x1] =	stream.linear.gather [hbm4b:s15+s3], $0x4000, $0x38;
	[tilespmem:$0x1FA80] =	vst v63  }
0x32: {  	s4 =	simm.s32 $0x13900;
	s19 =	rddreg [dreg:$0x13]  }
0x33: {  	[tilespmem:s4], [sflag:$0x2] =	stream.linear.gather [hbm4b:s10+s3], $0x80, $0x38;
	[tilespmem:$0x1FA80] =	vst v63  }
0x34: {  	s14 =	simm.s32 $0x17A00;
	s22 =	rddreg [dreg:$0x10];
	s5 =	stileid.u32  }
0x35: {  	[tilespmem:s14], [sflag:$0x2] =	stream.linear.gather [hbm4b:s13+s3], $0x4000, $0x38;
	[tilespmem:$0x1FA80] =	vst v63  }
0x36: {  	s21 =	simm.s32 $0x1FA00;
	s6 =	rddreg [dreg:$0xd];
	s0 =	sshll.u32 s5, $0x6  }
0x37: {  	[tilespmem:s21], [sflag:$0x3] =	stream.linear.gather [hbm4b:s19+s3], $0x20, $0x38;
	[tilespmem:$0x1FA80] =	vst v63  }
0x38: {  	s10 =	sor.u32 $0x1C07, s0;
	s13 =	rddreg [dreg:$0x6];
	s19 =	sshrl.u32 s6, $0x3  }
0x39: {  	[tilespmem:s1], [sflag:$0x3] =	stream.linear.gather [hbm4b:s22+s3], $0x1000, $0x38;
	[tilespmem:$0x1FA80] =	vst v63  }
0x3a: {  	[spmem:s19], [sflag:s10] =	dma.local [hbm:s13], $0x2700  }
0x3b: {  	_ =	swait.ge [sflag:s7], $0x2700  }
0x3c: {  	[sflag:s7] =	ssyncset.done $0x0  }
0x3d: {  	s0 =	rddreg [dreg:$0xe];
	[sflag:s7] =	ssyncadd.s32 $0xFFFFD900  }
0x3e: {  	[spmem:s20], [sflag:s10] =	dma.local @!p1 [hbm:s0], $0x100  }
0x3f: {  	s0 =	simm.s32 @!p1 $0x7  }
0x40: {  	_ =	swait.ge @!p1 [sflag:s0], $0x100  }
0x41: {  	[sflag:s0] =	ssyncset.done @!p1 $0x0  }
0x42: {  	[sflag:s0] =	ssyncadd.s32 @!p1 $0xFFFFFF00  }
0x43: {  	[bflag:$0x0] =	sbarrier.arrive $0xFFFF  }
0x44: {  	_ =	swait.ge [sflag:s9], $0x20  }
0x45: {  	[sflag:s9] =	ssyncset.done $0x0  }
0x46: {  	[sflag:s9] =	ssyncadd.s32 $0xFFFFFFE0  }
0x47: {  	_ =	swait.ge [sflag:s9], $0x1000  }
0x48: {  	[sflag:s9] =	ssyncset.done $0x0  }
0x49: {  	s14 =	simm.s32 $0x20;
	[sflag:s9] =	ssyncadd.s32 $0xFFFFF000  }
0x4a: {  	[spmem:s2] =	stream.indirect.scatter.add.f32 [tilespmem:s1], [sflag:$0x7], $0x80, s21, s14, $0xb8;
	[tilespmem:$0x1FA80] =	vst v63  }
0x4b: {  	p3 =	por $0x1, $0x1;
	_ =	swait.ge [sflag:s7], $0x1000  }
0x4c: {  	p3 =	por p3, p3;
	[sflag:s7] =	ssyncset.done $0x0  }
0x4d: {  	s0 =	simm.s32 @!p3 $0x6;
	[sflag:s7] =	ssyncadd.s32 $0xFFFFF000  }
0x4e: {  	_ =	swait.ge @!p3 [sflag:s0], $0x4000  }
0x4f: {  	[sflag:s0] =	ssyncset.done @!p3 $0x0  }
0x50: {  	s20 =	sadd.s32 $0xFFFFFFE0, s25;
	s21 =	sadd.s32 $0x0, s15;
	[sflag:s0] =	ssyncadd.s32 @!p3 $0xFFFFC000  }
0x51: {  	[tilespmem:s11], [sflag:$0x3] =	stream.linear.gather [hbm4b:s20+s3], $0x80, $0x38;
	[tilespmem:$0x1FA80] =	vst v63  }
0x52: {  	s22 =	sadd.s32 $0x1000, s21  }
0x53: {  	[tilespmem:s1], [sflag:$0x3] =	stream.linear.gather [hbm4b:s22+s3], $0x4000, $0x38;
	[tilespmem:$0x1FA80] =	vst v63  }
0x54: {  	_ =	swait.ge [sflag:s12], $0x80  }
0x55: {  	[sflag:s12] =	ssyncset.done $0x0  }
0x56: {  	[sflag:s12] =	ssyncadd.s32 $0xFFFFFF80  }
0x57: {  	_ =	swait.ge [sflag:s12], $0x4000  }
0x58: {  	p3 =	por $0x0, $0x0;
	[sflag:s12] =	ssyncset.done $0x0  }
0x59: {  	s0 =	simm.s32 @p3 $0x2;
	[sflag:s12] =	ssyncadd.s32 $0xFFFFC000  }
0x5a: {  	[spmem:s2] =	stream.indirect.scatter.add.f32 [tilespmem:s29], [sflag:$0x4], $0x80, s28, s30, $0xb8;
	[tilespmem:$0x1FA80] =	vst v63  }
0x5b: {  	_ =	swait.ge @p3 [sflag:s0], $0x80  }
0x5c: {  	[sflag:s0] =	ssyncset.done @p3 $0x0  }
0x5d: {  	[sflag:s0] =	ssyncadd.s32 @p3 $0xFFFFFF80  }
0x5e: {  	_ =	swait.ge @p3 [sflag:s0], $0x4000  }
0x5f: {  	s4 =	simm.s32 @p3 $0x17A00;
	s5 =	simm.s32 @p3 $0x80;
	[sflag:s0] =	ssyncset.done @p3 $0x0  }
0x60: {  	s6 =	simm.s32 @p3 $0x13900;
	[sflag:s0] =	ssyncadd.s32 @p3 $0xFFFFC000;
	s0 =	simm.s32 @!p3 $0x4  }
0x61: {  	[spmem:s2] =	stream.indirect.scatter.add.f32 @p3 [tilespmem:s4], [sflag:$0x5], $0x80, s6, s5, $0xb8;
	[tilespmem:$0x1FA80] =	vst v63  }
0x62: {  	_ =	swait.ge @!p3 [sflag:s0], $0x4000  }
0x63: {  	s13 =	simm.s32 @!p3 $0x0;
	s4 =	sadd.s32 @!p3 $0x0, s15;
	[sflag:s0] =	ssyncset.done @!p3 $0x0  }
0x64: {  	s5 =	simm.s32 @!p3 $0x13880;
	s6 =	sadd.s32 @!p3 $0xFFFFFFF0, s25;
	[sflag:s0] =	ssyncadd.s32 @!p3 $0xFFFFC000  }
0x65: {  	[tilespmem:s5], [sflag:$0x1] =	stream.linear.gather @!p3 [hbm4b:s6+s13], $0x80, $0x38;
	[tilespmem:$0x1FA80] =	vst v63  }
0x66: {  	s0 =	sadd.s32 @!p3 $0x1800, s4;
	s5 =	simm.s32 @!p3 $0x13A00;
	s6 =	simm.s32 @!p3 $0x2  }
0x67: {  	[tilespmem:s5], [sflag:$0x1] =	stream.linear.gather @!p3 [hbm4b:s0+s13], $0x4000, $0x38;
	[tilespmem:$0x1FA80] =	vst v63  }
0x68: {  	_ =	swait.ge @!p3 [sflag:s6], $0x80  }
0x69: {  	[sflag:s6] =	ssyncset.done @!p3 $0x0  }
0x6a: {  	[sflag:s6] =	ssyncadd.s32 @!p3 $0xFFFFFF80  }
0x6b: {  	_ =	swait.ge @!p3 [sflag:s6], $0x4000  }
0x6c: {  	s0 =	simm.s32 @!p3 $0x17A00;
	[sflag:s6] =	ssyncset.done @!p3 $0x0  }
0x6d: {  	s5 =	simm.s32 @!p3 $0x80;
	[sflag:s6] =	ssyncadd.s32 @!p3 $0xFFFFC000;
	s6 =	simm.s32 @!p3 $0x13900  }
0x6e: {  	[spmem:s2] =	stream.indirect.scatter.add.f32 @!p3 [tilespmem:s0], [sflag:$0x5], $0x80, s6, s5, $0xb8;
	[tilespmem:$0x1FA80] =	vst v63  }
0x6f: {  	s5 =	simm.s32 @!p3 $0x5  }
0x70: {  	_ =	swait.ge @!p3 [sflag:s5], $0x4000  }
0x71: {  	[sflag:s5] =	ssyncset.done @!p3 $0x0  }
0x72: {  	[sflag:s5] =	ssyncadd.s32 @!p3 $0xFFFFC000  }
0x73: {  	[tilespmem:s6], [sflag:$0x2] =	stream.linear.gather @!p3 [hbm4b:s25+s13], $0x80, $0x38;
	[tilespmem:$0x1FA80] =	vst v63  }
0x74: {  	s4 =	sadd.s32 @!p3 $0x2000, s4  }
0x75: {  	[tilespmem:s0], [sflag:$0x2] =	stream.linear.gather @!p3 [hbm4b:s4+s13], $0x4000, $0x38;
	[tilespmem:$0x1FA80] =	vst v63  }
0x76: {  	_ =	swait.ge [sflag:s9], $0x80  }
0x77: {  	[sflag:s9] =	ssyncset.done $0x0  }
0x78: {  	p6 =	por $0x0, $0x0;
	s21 =	simm.s32 $0x1800;
	[sflag:s9] =	ssyncadd.s32 $0xFFFFFF80  }
0x79: {  	s20 =	sadd.s32 $0x30, s25;
	p3 =	por p6, p6;
	_ =	swait.ge [sflag:s9], $0x4000  }
0x7a: {  	s22 =	simm.s32 $0x3000;
	s6 =	simm.s32 @!p3 $0x6;
	[sflag:s9] =	ssyncset.done $0x0  }
.LBB2_6:
0x7b: {  	p5 =	seq.s32 s22, $0x0  }
0x7c: {  	[sflag:s9] =	ssyncadd.s32 $0xFFFFC000;
	s0 =	smov.u32 s22;
	s22 =	sadd.s32 $0x1800, s22  }
0x7d: {  	[spmem:s2] =	stream.indirect.scatter.add.f32 [tilespmem:s1], [sflag:$0x6], $0x80, s11, s30, $0xb8;
	[tilespmem:$0x1FA80] =	vst v63  }
0x7e: {  	p4 =	sne.s32 s22, $0x4E000;
	_ =	swait.ge @!p3 [sflag:s6], $0x4000  }
0x7f: {  	[sflag:s6] =	ssyncset.done @!p3 $0x0  }
0x80: {  	s4 =	sadd.s32 $0xFFFFFFE0, s20;
	s5 =	sadd.s32 s21, s15;
	[sflag:s6] =	ssyncadd.s32 @!p3 $0xFFFFC000  }
0x81: {  	[tilespmem:s11], [sflag:$0x3] =	stream.linear.gather [hbm4b:s4+s3], $0x80, $0x38;
	[tilespmem:$0x1FA80] =	vst v63  }
0x82: {  	p3 =	por p5, p5;
	s4 =	sadd.s32 $0x1000, s5  }
0x83: {  	[tilespmem:s1], [sflag:$0x3] =	stream.linear.gather [hbm4b:s4+s3], $0x4000, $0x38;
	[tilespmem:$0x1FA80] =	vst v63  }
0x84: {  	_ =	swait.ge [sflag:s12], $0x80  }
0x85: {  	[sflag:s12] =	ssyncset.done $0x0  }
0x86: {  	[sflag:s12] =	ssyncadd.s32 $0xFFFFFF80  }
0x87: {  	_ =	swait.ge [sflag:s12], $0x4000  }
0x88: {  	[sflag:s12] =	ssyncset.done $0x0  }
0x89: {  	p5 =	seq.s32 s21, $0x4C800;
	[sflag:s12] =	ssyncadd.s32 $0xFFFFC000  }
0x8a: {  	[spmem:s2] =	stream.indirect.scatter.add.f32 [tilespmem:s29], [sflag:$0x4], $0x80, s28, s30, $0xb8;
	[tilespmem:$0x1FA80] =	vst v63  }
0x8b: {  	s5 =	sadd.s32 @!p5 s21, s15;
	s21 =	smov.u32 s0;
	s4 =	simm.s32 @p5 $0x2  }
0x8c: {  	s0 =	sadd.s32 @!p5 $0x1800, s5;
	s5 =	sadd.s32 @!p5 $0x2000, s5;
	_ =	swait.ge @p5 [sflag:s4], $0x80  }
0x8d: {  	[sflag:s4] =	ssyncset.done @p5 $0x0  }
0x8e: {  	[sflag:s4] =	ssyncadd.s32 @p5 $0xFFFFFF80  }
0x8f: {  	s6 =	simm.s32 @p5 $0x17A00;
	_ =	swait.ge @p5 [sflag:s4], $0x4000  }
0x90: {  	s13 =	simm.s32 @p5 $0x80;
	s14 =	simm.s32 @p5 $0x13900;
	[sflag:s4] =	ssyncset.done @p5 $0x0  }
0x91: {  	[sflag:s4] =	ssyncadd.s32 @p5 $0xFFFFC000;
	s4 =	simm.s32 @!p5 $0x4  }
0x92: {  	[spmem:s2] =	stream.indirect.scatter.add.f32 @p5 [tilespmem:s6], [sflag:$0x5], $0x80, s14, s13, $0xb8;
	[tilespmem:$0x1FA80] =	vst v63  }
0x93: {  	s6 =	simm.s32 @!p5 $0x13880;
	_ =	swait.ge @!p5 [sflag:s4], $0x4000  }
0x94: {  	s13 =	sadd.s32 @!p5 $0xFFFFFFF0, s20;
	s14 =	simm.s32 @!p5 $0x0;
	[sflag:s4] =	ssyncset.done @!p5 $0x0  }
0x95: {  	[sflag:s4] =	ssyncadd.s32 @!p5 $0xFFFFC000;
	s4 =	simm.s32 @!p5 $0x13A00  }
0x96: {  	[tilespmem:s6], [sflag:$0x1] =	stream.linear.gather @!p5 [hbm4b:s13+s14], $0x80, $0x38;
	[tilespmem:$0x1FA80] =	vst v63  }
0x97: {  	s6 =	simm.s32 @!p5 $0x2  }
0x98: {  	[tilespmem:s4], [sflag:$0x1] =	stream.linear.gather @!p5 [hbm4b:s0+s14], $0x4000, $0x38;
	[tilespmem:$0x1FA80] =	vst v63  }
0x99: {  	_ =	swait.ge @!p5 [sflag:s6], $0x80  }
0x9a: {  	[sflag:s6] =	ssyncset.done @!p5 $0x0  }
0x9b: {  	[sflag:s6] =	ssyncadd.s32 @!p5 $0xFFFFFF80  }
0x9c: {  	s0 =	simm.s32 @!p5 $0x17A00;
	_ =	swait.ge @!p5 [sflag:s6], $0x4000  }
0x9d: {  	s13 =	simm.s32 @!p5 $0x13900;
	s4 =	simm.s32 @!p5 $0x80;
	[sflag:s6] =	ssyncset.done @!p5 $0x0  }
0x9e: {  	[sflag:s6] =	ssyncadd.s32 @!p5 $0xFFFFC000;
	s6 =	simm.s32 @!p5 $0x5  }
0x9f: {  	[spmem:s2] =	stream.indirect.scatter.add.f32 @!p5 [tilespmem:s0], [sflag:$0x5], $0x80, s13, s4, $0xb8;
	[tilespmem:$0x1FA80] =	vst v63  }
0xa0: {  	_ =	swait.ge @!p5 [sflag:s6], $0x4000  }
0xa1: {  	[sflag:s6] =	ssyncset.done @!p5 $0x0  }
0xa2: {  	[sflag:s6] =	ssyncadd.s32 @!p5 $0xFFFFC000  }
0xa3: {  	[tilespmem:s13], [sflag:$0x2] =	stream.linear.gather @!p5 [hbm4b:s20+s14], $0x80, $0x38;
	[tilespmem:$0x1FA80] =	vst v63  }
0xa4: {  	_ = 	snop  }
0xa5: {  	[tilespmem:s0], [sflag:$0x2] =	stream.linear.gather @!p5 [hbm4b:s5+s14], $0x4000, $0x38;
	[tilespmem:$0x1FA80] =	vst v63  }
.Ltmp3:
0xa6: {  	_ =	swait.ge [sflag:s9], $0x80;
	(pc) =	sbr.rel @p4 .LBB2_6-.Ltmp3, $4  }
0xa7: {  	[sflag:s9] =	ssyncset.done $0x0  }
0xa8: {  	[sflag:s9] =	ssyncadd.s32 $0xFFFFFF80  }
0xa9: {  	_ =	swait.ge [sflag:s9], $0x4000  }
0xaa: {  	s6 =	simm.s32 @!p3 $0x6;
	s20 =	sadd.s32 $0x30, s20;
	[sflag:s9] =	ssyncset.done $0x0  }
0xab: {  	[sflag:s9] =	ssyncadd.s32 $0xFFFFC000  }
0xac: {  	[spmem:s2] =	stream.indirect.scatter.add.f32 [tilespmem:s1], [sflag:$0x6], $0x80, s11, s30, $0xb8;
	[tilespmem:$0x1FA80] =	vst v63  }
0xad: {  	_ =	swait.ge @!p3 [sflag:s6], $0x4000  }
0xae: {  	[sflag:s6] =	ssyncset.done @!p3 $0x0  }
0xaf: {  	s0 =	sadd.s32 $0xFFFFFFE0, s20;
	s4 =	sadd.s32 s21, s15;
	[sflag:s6] =	ssyncadd.s32 @!p3 $0xFFFFC000  }
0xb0: {  	[tilespmem:s11], [sflag:$0x3] =	stream.linear.gather [hbm4b:s0+s3], $0x80, $0x38;
	[tilespmem:$0x1FA80] =	vst v63  }
0xb1: {  	s14 =	sadd.s32 $0x1000, s4  }
0xb2: {  	[tilespmem:s1], [sflag:$0x3] =	stream.linear.gather [hbm4b:s14+s3], $0x4000, $0x38;
	[tilespmem:$0x1FA80] =	vst v63  }
0xb3: {  	_ =	swait.ge [sflag:s12], $0x80  }
0xb4: {  	[sflag:s12] =	ssyncset.done $0x0  }
0xb5: {  	[sflag:s12] =	ssyncadd.s32 $0xFFFFFF80  }
0xb6: {  	_ =	swait.ge [sflag:s12], $0x4000  }
0xb7: {  	p3 =	seq.s32 s21, $0x4C800;
	[sflag:s12] =	ssyncset.done $0x0  }
0xb8: {  	s0 =	simm.s32 @p3 $0x2;
	[sflag:s12] =	ssyncadd.s32 $0xFFFFC000  }
0xb9: {  	[spmem:s2] =	stream.indirect.scatter.add.f32 [tilespmem:s29], [sflag:$0x4], $0x80, s28, s30, $0xb8;
	[tilespmem:$0x1FA80] =	vst v63  }
0xba: {  	_ =	swait.ge @p3 [sflag:s0], $0x80  }
0xbb: {  	[sflag:s0] =	ssyncset.done @p3 $0x0  }
0xbc: {  	[sflag:s0] =	ssyncadd.s32 @p3 $0xFFFFFF80  }
0xbd: {  	_ =	swait.ge @p3 [sflag:s0], $0x4000  }
0xbe: {  	s4 =	simm.s32 @p3 $0x17A00;
	s5 =	simm.s32 @p3 $0x80;
	[sflag:s0] =	ssyncset.done @p3 $0x0  }
0xbf: {  	s6 =	simm.s32 @p3 $0x13900;
	[sflag:s0] =	ssyncadd.s32 @p3 $0xFFFFC000;
	s0 =	simm.s32 @!p3 $0x4  }
0xc0: {  	[spmem:s2] =	stream.indirect.scatter.add.f32 @p3 [tilespmem:s4], [sflag:$0x5], $0x80, s6, s5, $0xb8;
	[tilespmem:$0x1FA80] =	vst v63  }
0xc1: {  	_ =	swait.ge @!p3 [sflag:s0], $0x4000  }
0xc2: {  	s13 =	simm.s32 @!p3 $0x0;
	s4 =	sadd.s32 @!p3 s21, s15;
	[sflag:s0] =	ssyncset.done @!p3 $0x0  }
0xc3: {  	s5 =	simm.s32 @!p3 $0x13880;
	s6 =	sadd.s32 @!p3 $0xFFFFFFF0, s20;
	[sflag:s0] =	ssyncadd.s32 @!p3 $0xFFFFC000  }
0xc4: {  	[tilespmem:s5], [sflag:$0x1] =	stream.linear.gather @!p3 [hbm4b:s6+s13], $0x80, $0x38;
	[tilespmem:$0x1FA80] =	vst v63  }
0xc5: {  	s0 =	sadd.s32 @!p3 $0x1800, s4;
	s5 =	simm.s32 @!p3 $0x13A00;
	s6 =	simm.s32 @!p3 $0x2  }
0xc6: {  	[tilespmem:s5], [sflag:$0x1] =	stream.linear.gather @!p3 [hbm4b:s0+s13], $0x4000, $0x38;
	[tilespmem:$0x1FA80] =	vst v63  }
0xc7: {  	_ =	swait.ge @!p3 [sflag:s6], $0x80  }
0xc8: {  	[sflag:s6] =	ssyncset.done @!p3 $0x0  }
0xc9: {  	[sflag:s6] =	ssyncadd.s32 @!p3 $0xFFFFFF80  }
0xca: {  	_ =	swait.ge @!p3 [sflag:s6], $0x4000  }
0xcb: {  	s14 =	simm.s32 @!p3 $0x13900;
	s0 =	simm.s32 @!p3 $0x17A00;
	[sflag:s6] =	ssyncset.done @!p3 $0x0  }
0xcc: {  	s5 =	simm.s32 @!p3 $0x80;
	[sflag:s6] =	ssyncadd.s32 @!p3 $0xFFFFC000;
	s6 =	simm.s32 @!p3 $0x5  }
0xcd: {  	[spmem:s2] =	stream.indirect.scatter.add.f32 @!p3 [tilespmem:s0], [sflag:$0x5], $0x80, s14, s5, $0xb8;
	[tilespmem:$0x1FA80] =	vst v63  }
0xce: {  	_ =	swait.ge @!p3 [sflag:s6], $0x4000  }
0xcf: {  	[sflag:s6] =	ssyncset.done @!p3 $0x0  }
0xd0: {  	[sflag:s6] =	ssyncadd.s32 @!p3 $0xFFFFC000  }
0xd1: {  	[tilespmem:s14], [sflag:$0x2] =	stream.linear.gather @!p3 [hbm4b:s20+s13], $0x80, $0x38;
	[tilespmem:$0x1FA80] =	vst v63  }
0xd2: {  	s4 =	sadd.s32 @!p3 $0x2000, s4  }
0xd3: {  	[tilespmem:s0], [sflag:$0x2] =	stream.linear.gather @!p3 [hbm4b:s4+s13], $0x4000, $0x38;
	[tilespmem:$0x1FA80] =	vst v63  }
0xd4: {  	_ =	swait.ge [sflag:s9], $0x80  }
0xd5: {  	[sflag:s9] =	ssyncset.done $0x0  }
0xd6: {  	[sflag:s9] =	ssyncadd.s32 $0xFFFFFF80  }
0xd7: {  	_ =	swait.ge [sflag:s9], $0x4000  }
0xd8: {  	[sflag:s9] =	ssyncset.done $0x0  }
0xd9: {  	[sflag:s9] =	ssyncadd.s32 $0xFFFFC000  }
0xda: {  	[spmem:s2] =	stream.indirect.scatter.add.f32 [tilespmem:s1], [sflag:$0x6], $0x80, s11, s30, $0xb8;
	[tilespmem:$0x1FA80] =	vst v63  }
0xdb: {  	_ =	swait.ge [sflag:s31], $0x4000  }
0xdc: {  	[sflag:s31] =	ssyncset.done $0x0  }
0xdd: {  	[sflag:s31] =	ssyncadd.s32 $0xFFFFC000  }
0xde: {  	_ =	swait.ge [sflag:s16], $0x4000  }
0xdf: {  	[sflag:s16] =	ssyncset.done $0x0  }
0xe0: {  	[sflag:s16] =	ssyncadd.s32 $0xFFFFC000  }
0xe1: {  	_ =	swait.ge [sflag:s17], $0x4000  }
0xe2: {  	[sflag:s17] =	ssyncset.done $0x0  }
0xe3: {  	[sflag:s17] =	ssyncadd.s32 $0xFFFFC000  }
0xe4: {  	[bflag:$0x0] =	sbarrier.arrive $0xFFFF  }
0xe5: {  	s22 =	rddreg [dreg:$0x15]  }
0xe6: {  	[hbm:s22], [sflag:s10] =	dma.local [spmem:s19], $0x2700  }
.Ltmp4:
0xe7: {  	_ = 	snop;
	(pc) =	sbr.rel @p1 .LBB2_9-.Ltmp4, $4  }
.Ltmp5:
0xe8: {  	_ = 	snop;
	(pc) =	sbr.rel @!p1 .LBB2_8-.Ltmp5, $4  }
0xe9: {  	_ =	swait.ge [sflag:s7], $0x2700  }
0xea: {  	[sflag:s7] =	ssyncset.done $0x0  }
0xeb: {  	s6 =	rddreg [dreg:$0x7];
	[sflag:s7] =	ssyncadd.s32 $0xFFFFD900  }
0xec: {  	_ = 	snop  }
.LBB2_2:
0xed: {  	s0 =	rddreg [dreg:$0x8]  }
0xee: {  	s10 =	rddreg [dreg:$0x9]  }
0xef: {  	[tilespmem:s28], [sflag:$0x1] =	stream.linear.gather [hbm4b:s0+s3], $0x80, $0x38;
	[tilespmem:$0x1FA80] =	vst v63  }
0xf0: {  	s13 =	rddreg [dreg:$0xa]  }
0xf1: {  	[tilespmem:s29], [sflag:$0x1] =	stream.linear.gather [hbm4b:s8+s3], $0x4000, $0x38;
	[tilespmem:$0x1FA80] =	vst v63  }
0xf2: {  	s4 =	simm.s32 $0x13900;
	s19 =	rddreg [dreg:$0xb];
	s5 =	stileid.u32  }
0xf3: {  	[tilespmem:s4], [sflag:$0x2] =	stream.linear.gather [hbm4b:s10+s3], $0x80, $0x38;
	[tilespmem:$0x1FA80] =	vst v63  }
0xf4: {  	s14 =	simm.s32 $0x17A00;
	s22 =	rddreg [dreg:$0xc];
	s6 =	sshll.u32 s5, $0x6  }
0xf5: {  	[tilespmem:s14], [sflag:$0x2] =	stream.linear.gather [hbm4b:s13+s3], $0x4000, $0x38;
	[tilespmem:$0x1FA80] =	vst v63  }
0xf6: {  	s21 =	simm.s32 $0x1FA00;
	s10 =	sor.u32 $0x1C07, s6;
	s6 =	rddreg [dreg:$0xd]  }
0xf7: {  	[tilespmem:s21], [sflag:$0x3] =	stream.linear.gather [hbm4b:s19+s3], $0x20, $0x38;
	[tilespmem:$0x1FA80] =	vst v63  }
0xf8: {  	s13 =	rddreg [dreg:$0x6];
	s19 =	sshrl.u32 s6, $0x3  }
0xf9: {  	[tilespmem:s1], [sflag:$0x3] =	stream.linear.gather [hbm4b:s22+s3], $0x1000, $0x38;
	[tilespmem:$0x1FA80] =	vst v63  }
0xfa: {  	[spmem:s19], [sflag:s10] =	dma.local [hbm:s13], $0x2700  }
0xfb: {  	_ =	swait.ge [sflag:s7], $0x2700  }
0xfc: {  	[sflag:s7] =	ssyncset.done $0x0  }
0xfd: {  	s6 =	simm.s32 @!p1 $0x7;
	s0 =	rddreg [dreg:$0xe];
	[sflag:s7] =	ssyncadd.s32 $0xFFFFD900  }
0xfe: {  	[spmem:s20], [sflag:s10] =	dma.local @!p1 [hbm:s0], $0x100  }
0xff: {  	_ =	swait.ge @!p1 [sflag:s6], $0x100  }
0x100: {  	[sflag:s6] =	ssyncset.done @!p1 $0x0  }
0x101: {  	[sflag:s6] =	ssyncadd.s32 @!p1 $0xFFFFFF00  }
0x102: {  	[bflag:$0x0] =	sbarrier.arrive $0xFFFF  }
0x103: {  	_ =	swait.ge [sflag:s9], $0x20  }
0x104: {  	[sflag:s9] =	ssyncset.done $0x0  }
0x105: {  	[sflag:s9] =	ssyncadd.s32 $0xFFFFFFE0  }
0x106: {  	_ =	swait.ge [sflag:s9], $0x1000  }
0x107: {  	[sflag:s9] =	ssyncset.done $0x0  }
0x108: {  	s14 =	simm.s32 $0x20;
	[sflag:s9] =	ssyncadd.s32 $0xFFFFF000  }
0x109: {  	[spmem:s2] =	stream.indirect.scatter.add.f32 [tilespmem:s1], [sflag:$0x7], $0x80, s21, s14, $0xb8;
	[tilespmem:$0x1FA80] =	vst v63  }
0x10a: {  	p3 =	por $0x1, $0x1;
	_ =	swait.ge [sflag:s7], $0x1000  }
0x10b: {  	p3 =	por p3, p3;
	[sflag:s7] =	ssyncset.done $0x0  }
0x10c: {  	s6 =	simm.s32 @!p3 $0x6;
	[sflag:s7] =	ssyncadd.s32 $0xFFFFF000  }
0x10d: {  	_ =	swait.ge @!p3 [sflag:s6], $0x4000  }
0x10e: {  	[sflag:s6] =	ssyncset.done @!p3 $0x0  }
0x10f: {  	s20 =	sadd.s32 $0xFFFFFFE0, s24;
	s21 =	sadd.s32 $0x0, s8;
	[sflag:s6] =	ssyncadd.s32 @!p3 $0xFFFFC000  }
0x110: {  	[tilespmem:s11], [sflag:$0x3] =	stream.linear.gather [hbm4b:s20+s3], $0x80, $0x38;
	[tilespmem:$0x1FA80] =	vst v63  }
0x111: {  	s22 =	sadd.s32 $0x1000, s21  }
0x112: {  	[tilespmem:s1], [sflag:$0x3] =	stream.linear.gather [hbm4b:s22+s3], $0x4000, $0x38;
	[tilespmem:$0x1FA80] =	vst v63  }
0x113: {  	_ =	swait.ge [sflag:s12], $0x80  }
0x114: {  	[sflag:s12] =	ssyncset.done $0x0  }
0x115: {  	[sflag:s12] =	ssyncadd.s32 $0xFFFFFF80  }
0x116: {  	_ =	swait.ge [sflag:s12], $0x4000  }
0x117: {  	p3 =	por $0x0, $0x0;
	[sflag:s12] =	ssyncset.done $0x0  }
0x118: {  	s6 =	simm.s32 @p3 $0x2;
	[sflag:s12] =	ssyncadd.s32 $0xFFFFC000  }
0x119: {  	[spmem:s2] =	stream.indirect.scatter.add.f32 [tilespmem:s29], [sflag:$0x4], $0x80, s28, s30, $0xb8;
	[tilespmem:$0x1FA80] =	vst v63  }
0x11a: {  	_ =	swait.ge @p3 [sflag:s6], $0x80  }
0x11b: {  	[sflag:s6] =	ssyncset.done @p3 $0x0  }
0x11c: {  	[sflag:s6] =	ssyncadd.s32 @p3 $0xFFFFFF80  }
0x11d: {  	_ =	swait.ge @p3 [sflag:s6], $0x4000  }
0x11e: {  	s20 =	simm.s32 @p3 $0x17A00;
	s21 =	simm.s32 @p3 $0x80;
	[sflag:s6] =	ssyncset.done @p3 $0x0  }
0x11f: {  	s22 =	simm.s32 @p3 $0x13900;
	[sflag:s6] =	ssyncadd.s32 @p3 $0xFFFFC000;
	s6 =	simm.s32 @!p3 $0x4  }
0x120: {  	[spmem:s2] =	stream.indirect.scatter.add.f32 @p3 [tilespmem:s20], [sflag:$0x5], $0x80, s22, s21, $0xb8;
	[tilespmem:$0x1FA80] =	vst v63  }
0x121: {  	_ =	swait.ge @!p3 [sflag:s6], $0x4000  }
0x122: {  	s4 =	simm.s32 @!p3 $0x0;
	s20 =	sadd.s32 @!p3 $0x0, s8;
	[sflag:s6] =	ssyncset.done @!p3 $0x0  }
0x123: {  	s21 =	simm.s32 @!p3 $0x13880;
	s22 =	sadd.s32 @!p3 $0xFFFFFFF0, s24;
	[sflag:s6] =	ssyncadd.s32 @!p3 $0xFFFFC000  }
0x124: {  	[tilespmem:s21], [sflag:$0x1] =	stream.linear.gather @!p3 [hbm4b:s22+s4], $0x80, $0x38;
	[tilespmem:$0x1FA80] =	vst v63  }
0x125: {  	s6 =	sadd.s32 @!p3 $0x1800, s20;
	s21 =	simm.s32 @!p3 $0x13A00;
	s22 =	simm.s32 @!p3 $0x2  }
0x126: {  	[tilespmem:s21], [sflag:$0x1] =	stream.linear.gather @!p3 [hbm4b:s6+s4], $0x4000, $0x38;
	[tilespmem:$0x1FA80] =	vst v63  }
0x127: {  	_ =	swait.ge @!p3 [sflag:s22], $0x80  }
0x128: {  	[sflag:s22] =	ssyncset.done @!p3 $0x0  }
0x129: {  	[sflag:s22] =	ssyncadd.s32 @!p3 $0xFFFFFF80  }
0x12a: {  	_ =	swait.ge @!p3 [sflag:s22], $0x4000  }
0x12b: {  	s6 =	simm.s32 @!p3 $0x17A00;
	[sflag:s22] =	ssyncset.done @!p3 $0x0  }
0x12c: {  	s21 =	simm.s32 @!p3 $0x80;
	[sflag:s22] =	ssyncadd.s32 @!p3 $0xFFFFC000;
	s22 =	simm.s32 @!p3 $0x13900  }
0x12d: {  	[spmem:s2] =	stream.indirect.scatter.add.f32 @!p3 [tilespmem:s6], [sflag:$0x5], $0x80, s22, s21, $0xb8;
	[tilespmem:$0x1FA80] =	vst v63  }
0x12e: {  	s21 =	simm.s32 @!p3 $0x5  }
0x12f: {  	_ =	swait.ge @!p3 [sflag:s21], $0x4000  }
0x130: {  	[sflag:s21] =	ssyncset.done @!p3 $0x0  }
0x131: {  	[sflag:s21] =	ssyncadd.s32 @!p3 $0xFFFFC000  }
0x132: {  	[tilespmem:s22], [sflag:$0x2] =	stream.linear.gather @!p3 [hbm4b:s24+s4], $0x80, $0x38;
	[tilespmem:$0x1FA80] =	vst v63  }
0x133: {  	s20 =	sadd.s32 @!p3 $0x2000, s20  }
0x134: {  	[tilespmem:s6], [sflag:$0x2] =	stream.linear.gather @!p3 [hbm4b:s20+s4], $0x4000, $0x38;
	[tilespmem:$0x1FA80] =	vst v63  }
0x135: {  	_ =	swait.ge [sflag:s9], $0x80  }
0x136: {  	[sflag:s9] =	ssyncset.done $0x0  }
0x137: {  	p6 =	por $0x0, $0x0;
	s21 =	simm.s32 $0x1800;
	[sflag:s9] =	ssyncadd.s32 $0xFFFFFF80  }
0x138: {  	s22 =	simm.s32 $0x3000;
	p3 =	por p6, p6;
	_ =	swait.ge [sflag:s9], $0x4000  }
0x139: {  	s20 =	sadd.s32 $0x30, s24;
	s6 =	simm.s32 @!p3 $0x6;
	[sflag:s9] =	ssyncset.done $0x0  }
.LBB2_3:
0x13a: {  	p5 =	seq.s32 s22, $0x0  }
0x13b: {  	[sflag:s9] =	ssyncadd.s32 $0xFFFFC000;
	s4 =	smov.u32 s22;
	s22 =	sadd.s32 $0x1800, s22  }
0x13c: {  	[spmem:s2] =	stream.indirect.scatter.add.f32 [tilespmem:s1], [sflag:$0x6], $0x80, s11, s30, $0xb8;
	[tilespmem:$0x1FA80] =	vst v63  }
0x13d: {  	p4 =	sne.s32 s22, $0x4E000;
	_ =	swait.ge @!p3 [sflag:s6], $0x4000  }
0x13e: {  	[sflag:s6] =	ssyncset.done @!p3 $0x0  }
0x13f: {  	s5 =	sadd.s32 s21, s8;
	[sflag:s6] =	ssyncadd.s32 @!p3 $0xFFFFC000;
	s6 =	sadd.s32 $0xFFFFFFE0, s20  }
0x140: {  	[tilespmem:s11], [sflag:$0x3] =	stream.linear.gather [hbm4b:s6+s3], $0x80, $0x38;
	[tilespmem:$0x1FA80] =	vst v63  }
0x141: {  	s5 =	sadd.s32 $0x1000, s5;
	p3 =	por p5, p5  }
0x142: {  	[tilespmem:s1], [sflag:$0x3] =	stream.linear.gather [hbm4b:s5+s3], $0x4000, $0x38;
	[tilespmem:$0x1FA80] =	vst v63  }
0x143: {  	_ =	swait.ge [sflag:s12], $0x80  }
0x144: {  	[sflag:s12] =	ssyncset.done $0x0  }
0x145: {  	[sflag:s12] =	ssyncadd.s32 $0xFFFFFF80  }
0x146: {  	_ =	swait.ge [sflag:s12], $0x4000  }
0x147: {  	[sflag:s12] =	ssyncset.done $0x0  }
0x148: {  	p5 =	seq.s32 s21, $0x4C800;
	[sflag:s12] =	ssyncadd.s32 $0xFFFFC000  }
0x149: {  	[spmem:s2] =	stream.indirect.scatter.add.f32 [tilespmem:s29], [sflag:$0x4], $0x80, s28, s30, $0xb8;
	[tilespmem:$0x1FA80] =	vst v63  }
0x14a: {  	s6 =	sadd.s32 @!p5 s21, s8;
	s21 =	smov.u32 s4;
	s5 =	simm.s32 @p5 $0x2  }
0x14b: {  	s4 =	sadd.s32 @!p5 $0x1800, s6;
	s6 =	sadd.s32 @!p5 $0x2000, s6;
	_ =	swait.ge @p5 [sflag:s5], $0x80  }
0x14c: {  	[sflag:s5] =	ssyncset.done @p5 $0x0  }
0x14d: {  	[sflag:s5] =	ssyncadd.s32 @p5 $0xFFFFFF80  }
0x14e: {  	s13 =	simm.s32 @p5 $0x17A00;
	_ =	swait.ge @p5 [sflag:s5], $0x4000  }
0x14f: {  	s14 =	simm.s32 @p5 $0x80;
	s0 =	simm.s32 @p5 $0x13900;
	[sflag:s5] =	ssyncset.done @p5 $0x0  }
0x150: {  	[sflag:s5] =	ssyncadd.s32 @p5 $0xFFFFC000;
	s5 =	simm.s32 @!p5 $0x4  }
0x151: {  	[spmem:s2] =	stream.indirect.scatter.add.f32 @p5 [tilespmem:s13], [sflag:$0x5], $0x80, s0, s14, $0xb8;
	[tilespmem:$0x1FA80] =	vst v63  }
0x152: {  	s0 =	simm.s32 @!p5 $0x13880;
	_ =	swait.ge @!p5 [sflag:s5], $0x4000  }
0x153: {  	s13 =	sadd.s32 @!p5 $0xFFFFFFF0, s20;
	s14 =	simm.s32 @!p5 $0x0;
	[sflag:s5] =	ssyncset.done @!p5 $0x0  }
0x154: {  	[sflag:s5] =	ssyncadd.s32 @!p5 $0xFFFFC000;
	s5 =	simm.s32 @!p5 $0x13A00  }
0x155: {  	[tilespmem:s0], [sflag:$0x1] =	stream.linear.gather @!p5 [hbm4b:s13+s14], $0x80, $0x38;
	[tilespmem:$0x1FA80] =	vst v63  }
0x156: {  	s0 =	simm.s32 @!p5 $0x2  }
0x157: {  	[tilespmem:s5], [sflag:$0x1] =	stream.linear.gather @!p5 [hbm4b:s4+s14], $0x4000, $0x38;
	[tilespmem:$0x1FA80] =	vst v63  }
0x158: {  	_ =	swait.ge @!p5 [sflag:s0], $0x80  }
0x159: {  	[sflag:s0] =	ssyncset.done @!p5 $0x0  }
0x15a: {  	[sflag:s0] =	ssyncadd.s32 @!p5 $0xFFFFFF80  }
0x15b: {  	s4 =	simm.s32 @!p5 $0x17A00;
	_ =	swait.ge @!p5 [sflag:s0], $0x4000  }
0x15c: {  	s13 =	simm.s32 @!p5 $0x13900;
	s5 =	simm.s32 @!p5 $0x80;
	[sflag:s0] =	ssyncset.done @!p5 $0x0  }
0x15d: {  	[sflag:s0] =	ssyncadd.s32 @!p5 $0xFFFFC000;
	s0 =	simm.s32 @!p5 $0x5  }
0x15e: {  	[spmem:s2] =	stream.indirect.scatter.add.f32 @!p5 [tilespmem:s4], [sflag:$0x5], $0x80, s13, s5, $0xb8;
	[tilespmem:$0x1FA80] =	vst v63  }
0x15f: {  	_ =	swait.ge @!p5 [sflag:s0], $0x4000  }
0x160: {  	[sflag:s0] =	ssyncset.done @!p5 $0x0  }
0x161: {  	[sflag:s0] =	ssyncadd.s32 @!p5 $0xFFFFC000  }
0x162: {  	[tilespmem:s13], [sflag:$0x2] =	stream.linear.gather @!p5 [hbm4b:s20+s14], $0x80, $0x38;
	[tilespmem:$0x1FA80] =	vst v63  }
0x163: {  	_ = 	snop  }
0x164: {  	[tilespmem:s4], [sflag:$0x2] =	stream.linear.gather @!p5 [hbm4b:s6+s14], $0x4000, $0x38;
	[tilespmem:$0x1FA80] =	vst v63  }
.Ltmp6:
0x165: {  	_ =	swait.ge [sflag:s9], $0x80;
	(pc) =	sbr.rel @p4 .LBB2_3-.Ltmp6, $4  }
0x166: {  	[sflag:s9] =	ssyncset.done $0x0  }
0x167: {  	[sflag:s9] =	ssyncadd.s32 $0xFFFFFF80  }
0x168: {  	_ =	swait.ge [sflag:s9], $0x4000  }
0x169: {  	s20 =	sadd.s32 $0x30, s20;
	s6 =	simm.s32 @!p3 $0x6;
	[sflag:s9] =	ssyncset.done $0x0  }
0x16a: {  	[sflag:s9] =	ssyncadd.s32 $0xFFFFC000  }
0x16b: {  	[spmem:s2] =	stream.indirect.scatter.add.f32 [tilespmem:s1], [sflag:$0x6], $0x80, s11, s30, $0xb8;
	[tilespmem:$0x1FA80] =	vst v63  }
0x16c: {  	_ =	swait.ge @!p3 [sflag:s6], $0x4000  }
0x16d: {  	[sflag:s6] =	ssyncset.done @!p3 $0x0  }
0x16e: {  	s0 =	sadd.s32 $0xFFFFFFE0, s20;
	s4 =	sadd.s32 s21, s8;
	[sflag:s6] =	ssyncadd.s32 @!p3 $0xFFFFC000  }
0x16f: {  	[tilespmem:s11], [sflag:$0x3] =	stream.linear.gather [hbm4b:s0+s3], $0x80, $0x38;
	[tilespmem:$0x1FA80] =	vst v63  }
0x170: {  	s14 =	sadd.s32 $0x1000, s4  }
0x171: {  	[tilespmem:s1], [sflag:$0x3] =	stream.linear.gather [hbm4b:s14+s3], $0x4000, $0x38;
	[tilespmem:$0x1FA80] =	vst v63  }
0x172: {  	_ =	swait.ge [sflag:s12], $0x80  }
0x173: {  	[sflag:s12] =	ssyncset.done $0x0  }
0x174: {  	[sflag:s12] =	ssyncadd.s32 $0xFFFFFF80  }
0x175: {  	_ =	swait.ge [sflag:s12], $0x4000  }
0x176: {  	p3 =	seq.s32 s21, $0x4C800;
	[sflag:s12] =	ssyncset.done $0x0  }
0x177: {  	s0 =	simm.s32 @p3 $0x2;
	[sflag:s12] =	ssyncadd.s32 $0xFFFFC000  }
0x178: {  	[spmem:s2] =	stream.indirect.scatter.add.f32 [tilespmem:s29], [sflag:$0x4], $0x80, s28, s30, $0xb8;
	[tilespmem:$0x1FA80] =	vst v63  }
0x179: {  	_ =	swait.ge @p3 [sflag:s0], $0x80  }
0x17a: {  	[sflag:s0] =	ssyncset.done @p3 $0x0  }
0x17b: {  	[sflag:s0] =	ssyncadd.s32 @p3 $0xFFFFFF80  }
0x17c: {  	_ =	swait.ge @p3 [sflag:s0], $0x4000  }
0x17d: {  	s4 =	simm.s32 @p3 $0x17A00;
	s5 =	simm.s32 @p3 $0x80;
	[sflag:s0] =	ssyncset.done @p3 $0x0  }
0x17e: {  	s6 =	simm.s32 @p3 $0x13900;
	[sflag:s0] =	ssyncadd.s32 @p3 $0xFFFFC000;
	s0 =	simm.s32 @!p3 $0x4  }
0x17f: {  	[spmem:s2] =	stream.indirect.scatter.add.f32 @p3 [tilespmem:s4], [sflag:$0x5], $0x80, s6, s5, $0xb8;
	[tilespmem:$0x1FA80] =	vst v63  }
0x180: {  	_ =	swait.ge @!p3 [sflag:s0], $0x4000  }
0x181: {  	s13 =	simm.s32 @!p3 $0x0;
	s4 =	sadd.s32 @!p3 s21, s8;
	[sflag:s0] =	ssyncset.done @!p3 $0x0  }
0x182: {  	s5 =	simm.s32 @!p3 $0x13880;
	s6 =	sadd.s32 @!p3 $0xFFFFFFF0, s20;
	[sflag:s0] =	ssyncadd.s32 @!p3 $0xFFFFC000  }
0x183: {  	[tilespmem:s5], [sflag:$0x1] =	stream.linear.gather @!p3 [hbm4b:s6+s13], $0x80, $0x38;
	[tilespmem:$0x1FA80] =	vst v63  }
0x184: {  	s0 =	sadd.s32 @!p3 $0x1800, s4;
	s5 =	simm.s32 @!p3 $0x13A00;
	s6 =	simm.s32 @!p3 $0x2  }
0x185: {  	[tilespmem:s5], [sflag:$0x1] =	stream.linear.gather @!p3 [hbm4b:s0+s13], $0x4000, $0x38;
	[tilespmem:$0x1FA80] =	vst v63  }
0x186: {  	_ =	swait.ge @!p3 [sflag:s6], $0x80  }
0x187: {  	[sflag:s6] =	ssyncset.done @!p3 $0x0  }
0x188: {  	[sflag:s6] =	ssyncadd.s32 @!p3 $0xFFFFFF80  }
0x189: {  	_ =	swait.ge @!p3 [sflag:s6], $0x4000  }
0x18a: {  	s14 =	simm.s32 @!p3 $0x13900;
	s0 =	simm.s32 @!p3 $0x17A00;
	[sflag:s6] =	ssyncset.done @!p3 $0x0  }
0x18b: {  	s5 =	simm.s32 @!p3 $0x80;
	[sflag:s6] =	ssyncadd.s32 @!p3 $0xFFFFC000;
	s6 =	simm.s32 @!p3 $0x5  }
0x18c: {  	[spmem:s2] =	stream.indirect.scatter.add.f32 @!p3 [tilespmem:s0], [sflag:$0x5], $0x80, s14, s5, $0xb8;
	[tilespmem:$0x1FA80] =	vst v63  }
0x18d: {  	_ =	swait.ge @!p3 [sflag:s6], $0x4000  }
0x18e: {  	[sflag:s6] =	ssyncset.done @!p3 $0x0  }
0x18f: {  	[sflag:s6] =	ssyncadd.s32 @!p3 $0xFFFFC000  }
0x190: {  	[tilespmem:s14], [sflag:$0x2] =	stream.linear.gather @!p3 [hbm4b:s20+s13], $0x80, $0x38;
	[tilespmem:$0x1FA80] =	vst v63  }
0x191: {  	s4 =	sadd.s32 @!p3 $0x2000, s4  }
0x192: {  	[tilespmem:s0], [sflag:$0x2] =	stream.linear.gather @!p3 [hbm4b:s4+s13], $0x4000, $0x38;
	[tilespmem:$0x1FA80] =	vst v63  }
0x193: {  	_ =	swait.ge [sflag:s9], $0x80  }
0x194: {  	[sflag:s9] =	ssyncset.done $0x0  }
0x195: {  	[sflag:s9] =	ssyncadd.s32 $0xFFFFFF80  }
0x196: {  	_ =	swait.ge [sflag:s9], $0x4000  }
0x197: {  	[sflag:s9] =	ssyncset.done $0x0  }
0x198: {  	[sflag:s9] =	ssyncadd.s32 $0xFFFFC000  }
0x199: {  	[spmem:s2] =	stream.indirect.scatter.add.f32 [tilespmem:s1], [sflag:$0x6], $0x80, s11, s30, $0xb8;
	[tilespmem:$0x1FA80] =	vst v63  }
0x19a: {  	_ =	swait.ge [sflag:s31], $0x4000  }
0x19b: {  	[sflag:s31] =	ssyncset.done $0x0  }
0x19c: {  	[sflag:s31] =	ssyncadd.s32 $0xFFFFC000  }
0x19d: {  	_ =	swait.ge [sflag:s16], $0x4000  }
0x19e: {  	[sflag:s16] =	ssyncset.done $0x0  }
0x19f: {  	[sflag:s16] =	ssyncadd.s32 $0xFFFFC000  }
0x1a0: {  	_ =	swait.ge [sflag:s17], $0x4000  }
0x1a1: {  	[sflag:s17] =	ssyncset.done $0x0  }
0x1a2: {  	[sflag:s17] =	ssyncadd.s32 $0xFFFFC000  }
0x1a3: {  	[bflag:$0x0] =	sbarrier.arrive $0xFFFF  }
0x1a4: {  	s22 =	rddreg [dreg:$0x14]  }
0x1a5: {  	[hbm:s22], [sflag:s10] =	dma.local [spmem:s19], $0x2700  }
.Ltmp7:
0x1a6: {  	_ = 	snop;
	(pc) =	sbr.rel @!p2 .LBB2_9-.Ltmp7, $4  }
.Ltmp8:
0x1a7: {  	_ =	swait.ge [sflag:s7], $0x2700;
	(pc) =	sbr.rel @p2 .LBB2_8-.Ltmp8, $4  }
0x1a8: {  	[sflag:s7] =	ssyncset.done $0x0  }
0x1a9: {  	[sflag:s7] =	ssyncadd.s32 $0xFFFFD900  }
0x1aa: {  	s6 =	rddreg [dreg:$0x3]  }
0x1ab: {  	_ = 	snop  }
.LBB2_10:
0x1ac: {  	_ =	sfence.sel $0x180000  }
0x1ad: {  	[bflag:$0x0] =	sbarrier.arrive $0xFFFF  }
0x1ae: {  	_ =	strace $0x90000047  }
0x1af: {  	[bflag:$0x2] =	sbarrier.arrive $0xFFFF  }
0x1b0: {  	s0 =	rddreg [dreg:$0x5]  }
0x1b1: {  	s0 =	sadd.s32 @!p1 $0x100000, s0  }
0x1b2: {  	[sflag:s0] =	ssyncadd.tile.s32 @!p1 $0x1;
	_ =	shalt  }
.Lfunc_end2:
_tile_overlayer_lowered:
.L_overlay_start_2:
0x1b3: {  	(tag) =	ssettag $0x2  }
0x1b4: {  	s0 =	rddreg [dreg:$0x0];
	s2 =	stileid.u32  }
0x1b5: {  	s1 =	rddreg [dreg:$0x1];
	p0 =	sne.s32 s2, $0x0  }
0x1b6: {  	s3 =	rddreg [dreg:$0x2];
	[bflag:$0x3] =	sbarrier.arrive $0xFFFF;
	s2 =	simm.s32 @!p0 $0x1C07  }
0x1b7: {  	[timem:s3], [sflag:s2] =	dma.local @!p0 [hbm:s0], s1  }
0x1b8: {  	s0 =	simm.s32 @!p0 $0x7  }
0x1b9: {  	_ =	swait.ge @!p0 [sflag:s0], s1  }
0x1ba: {  	s1 =	ssub.s32 @!p0 $0x0, s1;
	[sflag:s0] =	ssyncset.done @!p0 $0x0  }
0x1bb: {  	[sflag:s0] =	ssyncadd.s32 @!p0 s1  }
0x1bc: {  	[bflag:$0x3] =	sbarrier.arrive $0xFFFF  }
0x1bd: {  	_ =	shalt  }

</sc_bundles>
